<compile_context>
chip_gen: v7x
topology: tpu7x:2x2x1
jax: 0.10.2.dev20260603
libtpu: 0.0.44.dev20260713+nightly
codegen_flags: <defaults>
</compile_context>

<pallas_src>
import functools

import jax
import jax.numpy as jnp
from jax import lax
from jax.experimental import pallas as pl
from jax.experimental.pallas import tpu as pltpu
from jax.experimental.pallas import tpu_sc as plsc

_TILE = 1024


def _nn_kernel(xyz1_ref, xyz2t_ref, idxw_ref):
    T = xyz1_ref.shape[1]
    N2 = xyz2t_ref.shape[2]

    x1 = xyz1_ref[0]
    x2t = xyz2t_ref[0]

    u0, u1, u2 = x1[:, 0:1], x1[:, 1:2], x1[:, 2:3]
    v0, v1, v2 = x2t[0:1, :], x2t[1:2, :], x2t[2:3, :]
    ab = jnp.dot(x1, x2t, preferred_element_type=jnp.float32)
    a2 = u0 * u0 + u1 * u1 + u2 * u2
    b2 = v0 * v0 + v1 * v1 + v2 * v2
    d2 = a2 + b2 - 2.0 * ab
    dist = jnp.sqrt(jnp.maximum(d2, 0.0))

    fiota = lax.broadcasted_iota(jnp.int32, (T, N2), 1).astype(jnp.float32)
    fN2 = jnp.float32(N2)
    BIG = jnp.float32(3.0e38)
    cur = dist
    idxs, recs = [], []
    for k in range(3):
        m = jnp.min(cur, axis=1, keepdims=True)
        sel_iota = jnp.where(cur == m, fiota, fN2)
        idxk = jnp.min(sel_iota, axis=1, keepdims=True)
        idxs.append(idxk)
        recs.append(1.0 / jnp.maximum(m, 1e-10))
        if k < 2:
            cur = jnp.where(sel_iota == idxk, BIG, cur)
    norm = recs[0] + recs[1] + recs[2]
    ws = [r / norm for r in recs]
    idxw_ref[0] = jnp.concatenate(
        [idxs[0], idxs[1], idxs[2], ws[0], ws[1], ws[2],
         jnp.zeros((T, 2), jnp.float32)], axis=1)


def _make_sc_gather(P, D):
    info = plsc.get_sparse_core_info()
    NC, NS = info.num_cores, info.num_subcores
    NW = NC * NS
    bpw = P // NW
    CH = 128
    NCH = bpw // CH
    mesh = plsc.VectorSubcoreMesh(core_axis_name="c", subcore_axis_name="s")

    @functools.partial(
        pl.kernel, mesh=mesh,
        compiler_params=pltpu.CompilerParams(use_tc_tiling_on_sc=False),
        out_type=jax.ShapeDtypeStruct((P, D), jnp.float32),
        scratch_types=[
            pltpu.VMEM((bpw,), jnp.int32),
            pltpu.VMEM((bpw, D), jnp.float32),
            pltpu.SemaphoreType.DMA,
        ],
    )
    def sc_gather(table_hbm, idx_hbm, out_hbm, idx_v, rows_v, sem):
        wid = lax.axis_index("s") * NC + lax.axis_index("c")
        base = wid * bpw
        pltpu.sync_copy(idx_hbm.at[pl.ds(base, bpw)], idx_v)
        copies = []
        for j in range(NCH):
            copies.append(pltpu.async_copy(
                table_hbm.at[idx_v.at[pl.ds(j * CH, CH)]],
                rows_v.at[pl.ds(j * CH, CH)], sem))
        for c in copies:
            c.wait()
        pltpu.sync_copy(rows_v, out_hbm.at[pl.ds(base, bpw)])

    return sc_gather


def _mlp_kernel(g_ref, idxw_ref, points1_ref,
                W1a_ref, W1b_ref, b1_ref, g1v_ref, beta1_ref,
                W2_ref, b2_ref, g2v_ref, beta2_ref, out_ref):
    C2 = points1_ref.shape[2]
    g = g_ref[0]
    w0 = idxw_ref[0][:, 3:4]
    w1 = idxw_ref[0][:, 4:5]
    w2 = idxw_ref[0][:, 5:6]
    interp = (g[:, 0:C2] * w0 + g[:, C2:2 * C2] * w1
              + g[:, 2 * C2:3 * C2] * w2)

    inv_std = 1.0 / jnp.sqrt(jnp.float32(1.0 + 1e-5))
    x = (jnp.dot(interp, W1a_ref[...], preferred_element_type=jnp.float32)
         + jnp.dot(points1_ref[0], W1b_ref[...],
                   preferred_element_type=jnp.float32))
    x = x + b1_ref[0]
    x = g1v_ref[0] * (x * inv_std) + beta1_ref[0]
    x = jnp.maximum(x, 0.0)

    x = jnp.dot(x, W2_ref[...], preferred_element_type=jnp.float32)
    x = x + b2_ref[0]
    x = g2v_ref[0] * (x * inv_std) + beta2_ref[0]
    x = jnp.maximum(x, 0.0)
    out_ref[0] = x


def kernel(xyz1, xyz2, points1, points2, W1, b1, g1, beta1, W2, b2, g2, beta2):
    B, N1, _ = xyz1.shape
    _, N2, C2 = points2.shape
    C1 = points1.shape[2]
    Cout = W2.shape[1]
    T = _TILE if N1 % _TILE == 0 else N1

    xyz2t = jnp.transpose(xyz2, (0, 2, 1))
    const = lambda b, i: (0, 0)
    per_b = lambda b, i: (b, 0, 0)
    per_tile = lambda b, i: (b, i, 0)

    W1a, W1b = W1[:C2], W1[C2:]
    vecs = [v.reshape(1, -1) for v in (b1, g1, beta1, b2, g2, beta2)]
    b1r, g1r, beta1r, b2r, g2r, beta2r = vecs

    def nn_stage(xyz1_h, xyz2t_h):
        Bh = xyz1_h.shape[0]
        return pl.pallas_call(
            _nn_kernel,
            grid=(Bh, N1 // T),
            in_specs=[
                pl.BlockSpec((1, T, 3), per_tile),
                pl.BlockSpec((1, 3, N2), per_b),
            ],
            out_specs=pl.BlockSpec((1, T, 8), per_tile),
            out_shape=jax.ShapeDtypeStruct((Bh, N1, 8), jnp.float32),
        )(xyz1_h, xyz2t_h)

    def gather_stage(idxw_h, b0, Bh):
        idx3 = idxw_h[..., :3].astype(jnp.int32)
        off = (b0 + jnp.arange(Bh, dtype=jnp.int32)) * N2
        flat_idx = (idx3 + off[:, None, None]).reshape(-1)
        gathered = _make_sc_gather(3 * Bh * N1, C2)(
            points2.reshape(B * N2, C2), flat_idx)
        return gathered.reshape(Bh, N1, 3 * C2)

    def mlp_stage(g3_h, idxw_h, points1_h):
        Bh = g3_h.shape[0]
        return pl.pallas_call(
            _mlp_kernel,
            grid=(Bh, N1 // T),
            in_specs=[
                pl.BlockSpec((1, T, 3 * C2), per_tile),
                pl.BlockSpec((1, T, 8), per_tile),
                pl.BlockSpec((1, T, C1), per_tile),
                pl.BlockSpec(W1a.shape, const),
                pl.BlockSpec(W1b.shape, const),
                pl.BlockSpec((1, Cout), const),
                pl.BlockSpec((1, Cout), const),
                pl.BlockSpec((1, Cout), const),
                pl.BlockSpec(W2.shape, const),
                pl.BlockSpec((1, Cout), const),
                pl.BlockSpec((1, Cout), const),
                pl.BlockSpec((1, Cout), const),
            ],
            out_specs=pl.BlockSpec((1, T, Cout), per_tile),
            out_shape=jax.ShapeDtypeStruct((Bh, N1, Cout), jnp.float32),
        )(g3_h, idxw_h, points1_h,
          W1a, W1b, b1r, g1r, beta1r, W2, b2r, g2r, beta2r)

    idxw = nn_stage(xyz1, xyz2t)
    g3 = gather_stage(idxw, 0, B)
    return mlp_stage(g3, idxw, points1)

# --- scband reference (transcript-rebuilt; emitter-appended) ---
"""Pipeline reference for scband-pointnet-fp-module-2697239462399 (READ-ONLY COPY).

The authoritative reference and input builder live on the scoring server;
editing this copy changes nothing except your own understanding.
"""

import jax, jax.numpy as jnp
import numpy as np


def setup_inputs(seed: int = 0) -> dict:
    key = jax.random.key(seed)
    ks = jax.random.split(key, 8)
    B, N1, N2, C1, C2 = 4, 8192, 2048, 32, 32
    Cin = C1 + C2
    mlp = [64, 64]
    inp = {
        "xyz1": jax.random.uniform(ks[0], (B, N1, 3), dtype=jnp.float32),
        "xyz2": jax.random.uniform(ks[1], (B, N2, 3), dtype=jnp.float32),
        "points1": jax.random.normal(ks[2], (B, N1, C1), dtype=jnp.float32),
        "points2": jax.random.normal(ks[3], (B, N2, C2), dtype=jnp.float32),
    }
    c = Cin
    for i, out_c in enumerate(mlp):
        kk = jax.random.fold_in(ks[4], i)
        inp[f"W{i+1}"] = jax.random.normal(kk, (c, out_c), dtype=jnp.float32) * (1.0 / np.sqrt(c))
        inp[f"b{i+1}"] = jnp.zeros((out_c,), jnp.float32)
        inp[f"g{i+1}"] = jnp.ones((out_c,), jnp.float32)
        inp[f"beta{i+1}"] = jnp.zeros((out_c,), jnp.float32)
        c = out_c
    return inp


def _three_nn(xyz1, xyz2):
    # squared distances via ||a||^2 + ||b||^2 - 2ab to avoid 4D broadcast
    a2 = jnp.sum(xyz1 * xyz1, axis=-1)[:, :, None]
    b2 = jnp.sum(xyz2 * xyz2, axis=-1)[:, None, :]
    d2 = a2 + b2 - 2.0 * jnp.einsum("bnd,bmd->bnm", xyz1, xyz2)
    dist = jnp.sqrt(jnp.maximum(d2, 0.0))
    neg, idx = jax.lax.top_k(-dist, 3)
    return -neg, idx


def reference(xyz1, xyz2, points1, points2, W1, b1, g1, beta1, W2, b2, g2, beta2):
    dist, idx = _three_nn(xyz1, xyz2)
    dist = jnp.maximum(dist, 1e-10)
    norm = jnp.sum(1.0 / dist, axis=2, keepdims=True)
    weight = 1.0 / dist / norm  # (B, N1, 3)
    # three_interpolate: gather 3 neighbors' features from points2 and weighted-sum
    gathered = jax.vmap(lambda p, i: p[i])(points2, idx)  # (B, N1, 3, C2)
    interpolated = jnp.sum(gathered * weight[..., None], axis=2)  # (B, N1, C2)
    new_points = jnp.concatenate([interpolated, points1], axis=2)  # (B, N1, C1+C2)
    eps = 1e-5
    x = new_points
    for (W, b, g, be) in [(W1, b1, g1, beta1), (W2, b2, g2, beta2)]:
        x = x @ W + b  # 1x1 conv over channel-last layout
        # BN in inference mode: running_mean=0, running_var=1
        x = g * (x / jnp.sqrt(1.0 + eps)) + be
        x = jax.nn.relu(x)
    return x

if __name__ == "__main__":
    import jax
    _d = setup_inputs()
    print(jax.jit(kernel)(*tuple(_d.values())))

</pallas_src>

<mosaic_0001>
#map = affine_map<(d0, d1) -> (0, 0)>
#map1 = affine_map<(d0, d1) -> (0)>
module attributes {stable_mosaic.version = 14 : i64} {
  func.func @sc_gather(%arg0: i32, %arg1: i32, %arg2: memref<8192x32xf32, #tpu.memory_space<hbm>>, %arg3: memref<98304xi32, #tpu.memory_space<hbm>>, %arg4: memref<98304x32xf32, #tpu.memory_space<hbm>>, %arg5: memref<3072xi32, #tpu.memory_space<vmem>>, %arg6: memref<3072x32xf32, #tpu.memory_space<vmem>>, %arg7: memref<!tpu.dma_semaphore, #tpu.memory_space<semaphore_mem>>) attributes {dimension_semantics = [#tpu.dimension_semantics<core_parallel>, #tpu.dimension_semantics<subcore_parallel>], iteration_bounds = array<i64: 2, 16>, scalar_prefetch = 0 : i64, scratch_operands = 3 : i64, tpu.core_type = #tpu.core_type<sc_vector_subcore>, window_params = [{transform_indices = #map}, {transform_indices = #map1}, {transform_indices = #map}]} {
    %mul3A = arith.constant 2 : i32
    %mul3A_0 = arith.muli %arg1, %mul3A : i32
    %add3A = arith.addi %mul3A_0, %arg0 : i32
    %mul3A_1 = arith.constant 3072 : i32
    %mul3A_2 = arith.muli %add3A, %mul3A_1 : i32
    "tpu.region"() ({
      %run_scoped3A = tpu.sem_alloc : memref<!tpu.dma_semaphore, #tpu.memory_space<semaphore_mem>>
      %dma_start3A_385 = tpu.memref_slice %arg3[%mul3A_2] : memref<98304xi32, #tpu.memory_space<hbm>> -> memref<3072xi32, #tpu.memory_space<hbm>>
      %dma_start3A_386 = tpu.memref_slice %arg3[%mul3A_2] : memref<98304xi32, #tpu.memory_space<hbm>> -> memref<3072xi32, #tpu.memory_space<hbm>>
      tpu.enqueue_dma source(%dma_start3A_386 : memref<3072xi32, #tpu.memory_space<hbm>>) target(%arg5 : memref<3072xi32, #tpu.memory_space<vmem>>) target_semaphore(%run_scoped3A : memref<!tpu.dma_semaphore, #tpu.memory_space<semaphore_mem>>)
      %dma_wait3A_387 = tpu.memref_slice %arg3[%mul3A_2] : memref<98304xi32, #tpu.memory_space<hbm>> -> memref<3072xi32, #tpu.memory_space<hbm>>
      %dma_wait3A_388 = tpu.memref_slice %arg3[%mul3A_2] : memref<98304xi32, #tpu.memory_space<hbm>> -> memref<3072xi32, #tpu.memory_space<hbm>>
      tpu.wait_dma2 semaphore(%run_scoped3A : memref<!tpu.dma_semaphore, #tpu.memory_space<semaphore_mem>>) src(%dma_wait3A_388 : memref<3072xi32, #tpu.memory_space<hbm>>) dst(%arg5 : memref<3072xi32, #tpu.memory_space<vmem>>)
      tpu.yield
    }) : () -> ()
    %dma_start3A = arith.constant 0 : i32
    %dma_start3A_3 = arith.constant 0 : i32
    %dma_start3A_4 = tpu.memref_slice %arg6[%dma_start3A, %dma_start3A_3] : memref<3072x32xf32, #tpu.memory_space<vmem>> -> memref<128x32xf32, #tpu.memory_space<vmem>>
    %dma_start3A_5 = arith.constant 0 : i32
    %dma_start3A_6 = tpu.memref_slice %arg5[%dma_start3A_5] : memref<3072xi32, #tpu.memory_space<vmem>> -> memref<128xi32, #tpu.memory_space<vmem>>
    %dma_start3A_7 = arith.constant 0 : i32
    %dma_start3A_8 = arith.constant 0 : i32
    %dma_start3A_9 = tpu.memref_slice %arg2[%dma_start3A_7, %dma_start3A_8] : memref<8192x32xf32, #tpu.memory_space<hbm>> -> memref<8192x32xf32, #tpu.memory_space<hbm>>
    tpu.enqueue_indirect_dma source(%dma_start3A_9 : memref<8192x32xf32, #tpu.memory_space<hbm>>) target(%dma_start3A_4 : memref<128x32xf32, #tpu.memory_space<vmem>>) offsets(%dma_start3A_6 : memref<128xi32, #tpu.memory_space<vmem>>) semaphore(%arg7 : memref<!tpu.dma_semaphore, #tpu.memory_space<semaphore_mem>>)
    %dma_start3A_10 = arith.constant 128 : i32
    %dma_start3A_11 = arith.constant 0 : i32
    %dma_start3A_12 = tpu.memref_slice %arg6[%dma_start3A_10, %dma_start3A_11] : memref<3072x32xf32, #tpu.memory_space<vmem>> -> memref<128x32xf32, #tpu.memory_space<vmem>>
    %dma_start3A_13 = arith.constant 128 : i32
    %dma_start3A_14 = tpu.memref_slice %arg5[%dma_start3A_13] : memref<3072xi32, #tpu.memory_space<vmem>> -> memref<128xi32, #tpu.memory_space<vmem>>
    %dma_start3A_15 = arith.constant 0 : i32
    %dma_start3A_16 = arith.constant 0 : i32
    %dma_start3A_17 = tpu.memref_slice %arg2[%dma_start3A_15, %dma_start3A_16] : memref<8192x32xf32, #tpu.memory_space<hbm>> -> memref<8192x32xf32, #tpu.memory_space<hbm>>
    tpu.enqueue_indirect_dma source(%dma_start3A_17 : memref<8192x32xf32, #tpu.memory_space<hbm>>) target(%dma_start3A_12 : memref<128x32xf32, #tpu.memory_space<vmem>>) offsets(%dma_start3A_14 : memref<128xi32, #tpu.memory_space<vmem>>) semaphore(%arg7 : memref<!tpu.dma_semaphore, #tpu.memory_space<semaphore_mem>>)
    %dma_start3A_18 = arith.constant 256 : i32
    %dma_start3A_19 = arith.constant 0 : i32
    %dma_start3A_20 = tpu.memref_slice %arg6[%dma_start3A_18, %dma_start3A_19] : memref<3072x32xf32, #tpu.memory_space<vmem>> -> memref<128x32xf32, #tpu.memory_space<vmem>>
    %dma_start3A_21 = arith.constant 256 : i32
    %dma_start3A_22 = tpu.memref_slice %arg5[%dma_start3A_21] : memref<3072xi32, #tpu.memory_space<vmem>> -> memref<128xi32, #tpu.memory_space<vmem>>
    %dma_start3A_23 = arith.constant 0 : i32
    %dma_start3A_24 = arith.constant 0 : i32
    %dma_start3A_25 = tpu.memref_slice %arg2[%dma_start3A_23, %dma_start3A_24] : memref<8192x32xf32, #tpu.memory_space<hbm>> -> memref<8192x32xf32, #tpu.memory_space<hbm>>
    tpu.enqueue_indirect_dma source(%dma_start3A_25 : memref<8192x32xf32, #tpu.memory_space<hbm>>) target(%dma_start3A_20 : memref<128x32xf32, #tpu.memory_space<vmem>>) offsets(%dma_start3A_22 : memref<128xi32, #tpu.memory_space<vmem>>) semaphore(%arg7 : memref<!tpu.dma_semaphore, #tpu.memory_space<semaphore_mem>>)
    %dma_start3A_26 = arith.constant 384 : i32
    %dma_start3A_27 = arith.constant 0 : i32
    %dma_start3A_28 = tpu.memref_slice %arg6[%dma_start3A_26, %dma_start3A_27] : memref<3072x32xf32, #tpu.memory_space<vmem>> -> memref<128x32xf32, #tpu.memory_space<vmem>>
    %dma_start3A_29 = arith.constant 384 : i32
    %dma_start3A_30 = tpu.memref_slice %arg5[%dma_start3A_29] : memref<3072xi32, #tpu.memory_space<vmem>> -> memref<128xi32, #tpu.memory_space<vmem>>
    %dma_start3A_31 = arith.constant 0 : i32
    %dma_start3A_32 = arith.constant 0 : i32
    %dma_start3A_33 = tpu.memref_slice %arg2[%dma_start3A_31, %dma_start3A_32] : memref<8192x32xf32, #tpu.memory_space<hbm>> -> memref<8192x32xf32, #tpu.memory_space<hbm>>
    tpu.enqueue_indirect_dma source(%dma_start3A_33 : memref<8192x32xf32, #tpu.memory_space<hbm>>) target(%dma_start3A_28 : memref<128x32xf32, #tpu.memory_space<vmem>>) offsets(%dma_start3A_30 : memref<128xi32, #tpu.memory_space<vmem>>) semaphore(%arg7 : memref<!tpu.dma_semaphore, #tpu.memory_space<semaphore_mem>>)
    %dma_start3A_34 = arith.constant 512 : i32
    %dma_start3A_35 = arith.constant 0 : i32
    %dma_start3A_36 = tpu.memref_slice %arg6[%dma_start3A_34, %dma_start3A_35] : memref<3072x32xf32, #tpu.memory_space<vmem>> -> memref<128x32xf32, #tpu.memory_space<vmem>>
    %dma_start3A_37 = arith.constant 512 : i32
    %dma_start3A_38 = tpu.memref_slice %arg5[%dma_start3A_37] : memref<3072xi32, #tpu.memory_space<vmem>> -> memref<128xi32, #tpu.memory_space<vmem>>
    %dma_start3A_39 = arith.constant 0 : i32
    %dma_start3A_40 = arith.constant 0 : i32
    %dma_start3A_41 = tpu.memref_slice %arg2[%dma_start3A_39, %dma_start3A_40] : memref<8192x32xf32, #tpu.memory_space<hbm>> -> memref<8192x32xf32, #tpu.memory_space<hbm>>
    tpu.enqueue_indirect_dma source(%dma_start3A_41 : memref<8192x32xf32, #tpu.memory_space<hbm>>) target(%dma_start3A_36 : memref<128x32xf32, #tpu.memory_space<vmem>>) offsets(%dma_start3A_38 : memref<128xi32, #tpu.memory_space<vmem>>) semaphore(%arg7 : memref<!tpu.dma_semaphore, #tpu.memory_space<semaphore_mem>>)
    %dma_start3A_42 = arith.constant 640 : i32
    %dma_start3A_43 = arith.constant 0 : i32
    %dma_start3A_44 = tpu.memref_slice %arg6[%dma_start3A_42, %dma_start3A_43] : memref<3072x32xf32, #tpu.memory_space<vmem>> -> memref<128x32xf32, #tpu.memory_space<vmem>>
    %dma_start3A_45 = arith.constant 640 : i32
    %dma_start3A_46 = tpu.memref_slice %arg5[%dma_start3A_45] : memref<3072xi32, #tpu.memory_space<vmem>> -> memref<128xi32, #tpu.memory_space<vmem>>
    %dma_start3A_47 = arith.constant 0 : i32
    %dma_start3A_48 = arith.constant 0 : i32
    %dma_start3A_49 = tpu.memref_slice %arg2[%dma_start3A_47, %dma_start3A_48] : memref<8192x32xf32, #tpu.memory_space<hbm>> -> memref<8192x32xf32, #tpu.memory_space<hbm>>
    tpu.enqueue_indirect_dma source(%dma_start3A_49 : memref<8192x32xf32, #tpu.memory_space<hbm>>) target(%dma_start3A_44 : memref<128x32xf32, #tpu.memory_space<vmem>>) offsets(%dma_start3A_46 : memref<128xi32, #tpu.memory_space<vmem>>) semaphore(%arg7 : memref<!tpu.dma_semaphore, #tpu.memory_space<semaphore_mem>>)
    %dma_start3A_50 = arith.constant 768 : i32
    %dma_start3A_51 = arith.constant 0 : i32
    %dma_start3A_52 = tpu.memref_slice %arg6[%dma_start3A_50, %dma_start3A_51] : memref<3072x32xf32, #tpu.memory_space<vmem>> -> memref<128x32xf32, #tpu.memory_space<vmem>>
    %dma_start3A_53 = arith.constant 768 : i32
    %dma_start3A_54 = tpu.memref_slice %arg5[%dma_start3A_53] : memref<3072xi32, #tpu.memory_space<vmem>> -> memref<128xi32, #tpu.memory_space<vmem>>
    %dma_start3A_55 = arith.constant 0 : i32
    %dma_start3A_56 = arith.constant 0 : i32
    %dma_start3A_57 = tpu.memref_slice %arg2[%dma_start3A_55, %dma_start3A_56] : memref<8192x32xf32, #tpu.memory_space<hbm>> -> memref<8192x32xf32, #tpu.memory_space<hbm>>
    tpu.enqueue_indirect_dma source(%dma_start3A_57 : memref<8192x32xf32, #tpu.memory_space<hbm>>) target(%dma_start3A_52 : memref<128x32xf32, #tpu.memory_space<vmem>>) offsets(%dma_start3A_54 : memref<128xi32, #tpu.memory_space<vmem>>) semaphore(%arg7 : memref<!tpu.dma_semaphore, #tpu.memory_space<semaphore_mem>>)
    %dma_start3A_58 = arith.constant 896 : i32
    %dma_start3A_59 = arith.constant 0 : i32
    %dma_start3A_60 = tpu.memref_slice %arg6[%dma_start3A_58, %dma_start3A_59] : memref<3072x32xf32, #tpu.memory_space<vmem>> -> memref<128x32xf32, #tpu.memory_space<vmem>>
    %dma_start3A_61 = arith.constant 896 : i32
    %dma_start3A_62 = tpu.memref_slice %arg5[%dma_start3A_61] : memref<3072xi32, #tpu.memory_space<vmem>> -> memref<128xi32, #tpu.memory_space<vmem>>
    %dma_start3A_63 = arith.constant 0 : i32
    %dma_start3A_64 = arith.constant 0 : i32
    %dma_start3A_65 = tpu.memref_slice %arg2[%dma_start3A_63, %dma_start3A_64] : memref<8192x32xf32, #tpu.memory_space<hbm>> -> memref<8192x32xf32, #tpu.memory_space<hbm>>
    tpu.enqueue_indirect_dma source(%dma_start3A_65 : memref<8192x32xf32, #tpu.memory_space<hbm>>) target(%dma_start3A_60 : memref<128x32xf32, #tpu.memory_space<vmem>>) offsets(%dma_start3A_62 : memref<128xi32, #tpu.memory_space<vmem>>) semaphore(%arg7 : memref<!tpu.dma_semaphore, #tpu.memory_space<semaphore_mem>>)
    %dma_start3A_66 = arith.constant 1024 : i32
    %dma_start3A_67 = arith.constant 0 : i32
    %dma_start3A_68 = tpu.memref_slice %arg6[%dma_start3A_66, %dma_start3A_67] : memref<3072x32xf32, #tpu.memory_space<vmem>> -> memref<128x32xf32, #tpu.memory_space<vmem>>
    %dma_start3A_69 = arith.constant 1024 : i32
    %dma_start3A_70 = tpu.memref_slice %arg5[%dma_start3A_69] : memref<3072xi32, #tpu.memory_space<vmem>> -> memref<128xi32, #tpu.memory_space<vmem>>
    %dma_start3A_71 = arith.constant 0 : i32
    %dma_start3A_72 = arith.constant 0 : i32
    %dma_start3A_73 = tpu.memref_slice %arg2[%dma_start3A_71, %dma_start3A_72] : memref<8192x32xf32, #tpu.memory_space<hbm>> -> memref<8192x32xf32, #tpu.memory_space<hbm>>
    tpu.enqueue_indirect_dma source(%dma_start3A_73 : memref<8192x32xf32, #tpu.memory_space<hbm>>) target(%dma_start3A_68 : memref<128x32xf32, #tpu.memory_space<vmem>>) offsets(%dma_start3A_70 : memref<128xi32, #tpu.memory_space<vmem>>) semaphore(%arg7 : memref<!tpu.dma_semaphore, #tpu.memory_space<semaphore_mem>>)
    %dma_start3A_74 = arith.constant 1152 : i32
    %dma_start3A_75 = arith.constant 0 : i32
    %dma_start3A_76 = tpu.memref_slice %arg6[%dma_start3A_74, %dma_start3A_75] : memref<3072x32xf32, #tpu.memory_space<vmem>> -> memref<128x32xf32, #tpu.memory_space<vmem>>
    %dma_start3A_77 = arith.constant 1152 : i32
    %dma_start3A_78 = tpu.memref_slice %arg5[%dma_start3A_77] : memref<3072xi32, #tpu.memory_space<vmem>> -> memref<128xi32, #tpu.memory_space<vmem>>
    %dma_start3A_79 = arith.constant 0 : i32
    %dma_start3A_80 = arith.constant 0 : i32
    %dma_start3A_81 = tpu.memref_slice %arg2[%dma_start3A_79, %dma_start3A_80] : memref<8192x32xf32, #tpu.memory_space<hbm>> -> memref<8192x32xf32, #tpu.memory_space<hbm>>
    tpu.enqueue_indirect_dma source(%dma_start3A_81 : memref<8192x32xf32, #tpu.memory_space<hbm>>) target(%dma_start3A_76 : memref<128x32xf32, #tpu.memory_space<vmem>>) offsets(%dma_start3A_78 : memref<128xi32, #tpu.memory_space<vmem>>) semaphore(%arg7 : memref<!tpu.dma_semaphore, #tpu.memory_space<semaphore_mem>>)
    %dma_start3A_82 = arith.constant 1280 : i32
    %dma_start3A_83 = arith.constant 0 : i32
    %dma_start3A_84 = tpu.memref_slice %arg6[%dma_start3A_82, %dma_start3A_83] : memref<3072x32xf32, #tpu.memory_space<vmem>> -> memref<128x32xf32, #tpu.memory_space<vmem>>
    %dma_start3A_85 = arith.constant 1280 : i32
    %dma_start3A_86 = tpu.memref_slice %arg5[%dma_start3A_85] : memref<3072xi32, #tpu.memory_space<vmem>> -> memref<128xi32, #tpu.memory_space<vmem>>
    %dma_start3A_87 = arith.constant 0 : i32
    %dma_start3A_88 = arith.constant 0 : i32
    %dma_start3A_89 = tpu.memref_slice %arg2[%dma_start3A_87, %dma_start3A_88] : memref<8192x32xf32, #tpu.memory_space<hbm>> -> memref<8192x32xf32, #tpu.memory_space<hbm>>
    tpu.enqueue_indirect_dma source(%dma_start3A_89 : memref<8192x32xf32, #tpu.memory_space<hbm>>) target(%dma_start3A_84 : memref<128x32xf32, #tpu.memory_space<vmem>>) offsets(%dma_start3A_86 : memref<128xi32, #tpu.memory_space<vmem>>) semaphore(%arg7 : memref<!tpu.dma_semaphore, #tpu.memory_space<semaphore_mem>>)
    %dma_start3A_90 = arith.constant 1408 : i32
    %dma_start3A_91 = arith.constant 0 : i32
    %dma_start3A_92 = tpu.memref_slice %arg6[%dma_start3A_90, %dma_start3A_91] : memref<3072x32xf32, #tpu.memory_space<vmem>> -> memref<128x32xf32, #tpu.memory_space<vmem>>
    %dma_start3A_93 = arith.constant 1408 : i32
    %dma_start3A_94 = tpu.memref_slice %arg5[%dma_start3A_93] : memref<3072xi32, #tpu.memory_space<vmem>> -> memref<128xi32, #tpu.memory_space<vmem>>
    %dma_start3A_95 = arith.constant 0 : i32
    %dma_start3A_96 = arith.constant 0 : i32
    %dma_start3A_97 = tpu.memref_slice %arg2[%dma_start3A_95, %dma_start3A_96] : memref<8192x32xf32, #tpu.memory_space<hbm>> -> memref<8192x32xf32, #tpu.memory_space<hbm>>
    tpu.enqueue_indirect_dma source(%dma_start3A_97 : memref<8192x32xf32, #tpu.memory_space<hbm>>) target(%dma_start3A_92 : memref<128x32xf32, #tpu.memory_space<vmem>>) offsets(%dma_start3A_94 : memref<128xi32, #tpu.memory_space<vmem>>) semaphore(%arg7 : memref<!tpu.dma_semaphore, #tpu.memory_space<semaphore_mem>>)
    %dma_start3A_98 = arith.constant 1536 : i32
    %dma_start3A_99 = arith.constant 0 : i32
    %dma_start3A_100 = tpu.memref_slice %arg6[%dma_start3A_98, %dma_start3A_99] : memref<3072x32xf32, #tpu.memory_space<vmem>> -> memref<128x32xf32, #tpu.memory_space<vmem>>
    %dma_start3A_101 = arith.constant 1536 : i32
    %dma_start3A_102 = tpu.memref_slice %arg5[%dma_start3A_101] : memref<3072xi32, #tpu.memory_space<vmem>> -> memref<128xi32, #tpu.memory_space<vmem>>
    %dma_start3A_103 = arith.constant 0 : i32
    %dma_start3A_104 = arith.constant 0 : i32
    %dma_start3A_105 = tpu.memref_slice %arg2[%dma_start3A_103, %dma_start3A_104] : memref<8192x32xf32, #tpu.memory_space<hbm>> -> memref<8192x32xf32, #tpu.memory_space<hbm>>
    tpu.enqueue_indirect_dma source(%dma_start3A_105 : memref<8192x32xf32, #tpu.memory_space<hbm>>) target(%dma_start3A_100 : memref<128x32xf32, #tpu.memory_space<vmem>>) offsets(%dma_start3A_102 : memref<128xi32, #tpu.memory_space<vmem>>) semaphore(%arg7 : memref<!tpu.dma_semaphore, #tpu.memory_space<semaphore_mem>>)
    %dma_start3A_106 = arith.constant 1664 : i32
    %dma_start3A_107 = arith.constant 0 : i32
    %dma_start3A_108 = tpu.memref_slice %arg6[%dma_start3A_106, %dma_start3A_107] : memref<3072x32xf32, #tpu.memory_space<vmem>> -> memref<128x32xf32, #tpu.memory_space<vmem>>
    %dma_start3A_109 = arith.constant 1664 : i32
    %dma_start3A_110 = tpu.memref_slice %arg5[%dma_start3A_109] : memref<3072xi32, #tpu.memory_space<vmem>> -> memref<128xi32, #tpu.memory_space<vmem>>
    %dma_start3A_111 = arith.constant 0 : i32
    %dma_start3A_112 = arith.constant 0 : i32
    %dma_start3A_113 = tpu.memref_slice %arg2[%dma_start3A_111, %dma_start3A_112] : memref<8192x32xf32, #tpu.memory_space<hbm>> -> memref<8192x32xf32, #tpu.memory_space<hbm>>
    tpu.enqueue_indirect_dma source(%dma_start3A_113 : memref<8192x32xf32, #tpu.memory_space<hbm>>) target(%dma_start3A_108 : memref<128x32xf32, #tpu.memory_space<vmem>>) offsets(%dma_start3A_110 : memref<128xi32, #tpu.memory_space<vmem>>) semaphore(%arg7 : memref<!tpu.dma_semaphore, #tpu.memory_space<semaphore_mem>>)
    %dma_start3A_114 = arith.constant 1792 : i32
    %dma_start3A_115 = arith.constant 0 : i32
    %dma_start3A_116 = tpu.memref_slice %arg6[%dma_start3A_114, %dma_start3A_115] : memref<3072x32xf32, #tpu.memory_space<vmem>> -> memref<128x32xf32, #tpu.memory_space<vmem>>
    %dma_start3A_117 = arith.constant 1792 : i32
    %dma_start3A_118 = tpu.memref_slice %arg5[%dma_start3A_117] : memref<3072xi32, #tpu.memory_space<vmem>> -> memref<128xi32, #tpu.memory_space<vmem>>
    %dma_start3A_119 = arith.constant 0 : i32
    %dma_start3A_120 = arith.constant 0 : i32
    %dma_start3A_121 = tpu.memref_slice %arg2[%dma_start3A_119, %dma_start3A_120] : memref<8192x32xf32, #tpu.memory_space<hbm>> -> memref<8192x32xf32, #tpu.memory_space<hbm>>
    tpu.enqueue_indirect_dma source(%dma_start3A_121 : memref<8192x32xf32, #tpu.memory_space<hbm>>) target(%dma_start3A_116 : memref<128x32xf32, #tpu.memory_space<vmem>>) offsets(%dma_start3A_118 : memref<128xi32, #tpu.memory_space<vmem>>) semaphore(%arg7 : memref<!tpu.dma_semaphore, #tpu.memory_space<semaphore_mem>>)
    %dma_start3A_122 = arith.constant 1920 : i32
    %dma_start3A_123 = arith.constant 0 : i32
    %dma_start3A_124 = tpu.memref_slice %arg6[%dma_start3A_122, %dma_start3A_123] : memref<3072x32xf32, #tpu.memory_space<vmem>> -> memref<128x32xf32, #tpu.memory_space<vmem>>
    %dma_start3A_125 = arith.constant 1920 : i32
    %dma_start3A_126 = tpu.memref_slice %arg5[%dma_start3A_125] : memref<3072xi32, #tpu.memory_space<vmem>> -> memref<128xi32, #tpu.memory_space<vmem>>
    %dma_start3A_127 = arith.constant 0 : i32
    %dma_start3A_128 = arith.constant 0 : i32
    %dma_start3A_129 = tpu.memref_slice %arg2[%dma_start3A_127, %dma_start3A_128] : memref<8192x32xf32, #tpu.memory_space<hbm>> -> memref<8192x32xf32, #tpu.memory_space<hbm>>
    tpu.enqueue_indirect_dma source(%dma_start3A_129 : memref<8192x32xf32, #tpu.memory_space<hbm>>) target(%dma_start3A_124 : memref<128x32xf32, #tpu.memory_space<vmem>>) offsets(%dma_start3A_126 : memref<128xi32, #tpu.memory_space<vmem>>) semaphore(%arg7 : memref<!tpu.dma_semaphore, #tpu.memory_space<semaphore_mem>>)
    %dma_start3A_130 = arith.constant 2048 : i32
    %dma_start3A_131 = arith.constant 0 : i32
    %dma_start3A_132 = tpu.memref_slice %arg6[%dma_start3A_130, %dma_start3A_131] : memref<3072x32xf32, #tpu.memory_space<vmem>> -> memref<128x32xf32, #tpu.memory_space<vmem>>
    %dma_start3A_133 = arith.constant 2048 : i32
    %dma_start3A_134 = tpu.memref_slice %arg5[%dma_start3A_133] : memref<3072xi32, #tpu.memory_space<vmem>> -> memref<128xi32, #tpu.memory_space<vmem>>
    %dma_start3A_135 = arith.constant 0 : i32
    %dma_start3A_136 = arith.constant 0 : i32
    %dma_start3A_137 = tpu.memref_slice %arg2[%dma_start3A_135, %dma_start3A_136] : memref<8192x32xf32, #tpu.memory_space<hbm>> -> memref<8192x32xf32, #tpu.memory_space<hbm>>
    tpu.enqueue_indirect_dma source(%dma_start3A_137 : memref<8192x32xf32, #tpu.memory_space<hbm>>) target(%dma_start3A_132 : memref<128x32xf32, #tpu.memory_space<vmem>>) offsets(%dma_start3A_134 : memref<128xi32, #tpu.memory_space<vmem>>) semaphore(%arg7 : memref<!tpu.dma_semaphore, #tpu.memory_space<semaphore_mem>>)
    %dma_start3A_138 = arith.constant 2176 : i32
    %dma_start3A_139 = arith.constant 0 : i32
    %dma_start3A_140 = tpu.memref_slice %arg6[%dma_start3A_138, %dma_start3A_139] : memref<3072x32xf32, #tpu.memory_space<vmem>> -> memref<128x32xf32, #tpu.memory_space<vmem>>
    %dma_start3A_141 = arith.constant 2176 : i32
    %dma_start3A_142 = tpu.memref_slice %arg5[%dma_start3A_141] : memref<3072xi32, #tpu.memory_space<vmem>> -> memref<128xi32, #tpu.memory_space<vmem>>
    %dma_start3A_143 = arith.constant 0 : i32
    %dma_start3A_144 = arith.constant 0 : i32
    %dma_start3A_145 = tpu.memref_slice %arg2[%dma_start3A_143, %dma_start3A_144] : memref<8192x32xf32, #tpu.memory_space<hbm>> -> memref<8192x32xf32, #tpu.memory_space<hbm>>
    tpu.enqueue_indirect_dma source(%dma_start3A_145 : memref<8192x32xf32, #tpu.memory_space<hbm>>) target(%dma_start3A_140 : memref<128x32xf32, #tpu.memory_space<vmem>>) offsets(%dma_start3A_142 : memref<128xi32, #tpu.memory_space<vmem>>) semaphore(%arg7 : memref<!tpu.dma_semaphore, #tpu.memory_space<semaphore_mem>>)
    %dma_start3A_146 = arith.constant 2304 : i32
    %dma_start3A_147 = arith.constant 0 : i32
    %dma_start3A_148 = tpu.memref_slice %arg6[%dma_start3A_146, %dma_start3A_147] : memref<3072x32xf32, #tpu.memory_space<vmem>> -> memref<128x32xf32, #tpu.memory_space<vmem>>
    %dma_start3A_149 = arith.constant 2304 : i32
    %dma_start3A_150 = tpu.memref_slice %arg5[%dma_start3A_149] : memref<3072xi32, #tpu.memory_space<vmem>> -> memref<128xi32, #tpu.memory_space<vmem>>
    %dma_start3A_151 = arith.constant 0 : i32
    %dma_start3A_152 = arith.constant 0 : i32
    %dma_start3A_153 = tpu.memref_slice %arg2[%dma_start3A_151, %dma_start3A_152] : memref<8192x32xf32, #tpu.memory_space<hbm>> -> memref<8192x32xf32, #tpu.memory_space<hbm>>
    tpu.enqueue_indirect_dma source(%dma_start3A_153 : memref<8192x32xf32, #tpu.memory_space<hbm>>) target(%dma_start3A_148 : memref<128x32xf32, #tpu.memory_space<vmem>>) offsets(%dma_start3A_150 : memref<128xi32, #tpu.memory_space<vmem>>) semaphore(%arg7 : memref<!tpu.dma_semaphore, #tpu.memory_space<semaphore_mem>>)
    %dma_start3A_154 = arith.constant 2432 : i32
    %dma_start3A_155 = arith.constant 0 : i32
    %dma_start3A_156 = tpu.memref_slice %arg6[%dma_start3A_154, %dma_start3A_155] : memref<3072x32xf32, #tpu.memory_space<vmem>> -> memref<128x32xf32, #tpu.memory_space<vmem>>
    %dma_start3A_157 = arith.constant 2432 : i32
    %dma_start3A_158 = tpu.memref_slice %arg5[%dma_start3A_157] : memref<3072xi32, #tpu.memory_space<vmem>> -> memref<128xi32, #tpu.memory_space<vmem>>
    %dma_start3A_159 = arith.constant 0 : i32
    %dma_start3A_160 = arith.constant 0 : i32
    %dma_start3A_161 = tpu.memref_slice %arg2[%dma_start3A_159, %dma_start3A_160] : memref<8192x32xf32, #tpu.memory_space<hbm>> -> memref<8192x32xf32, #tpu.memory_space<hbm>>
    tpu.enqueue_indirect_dma source(%dma_start3A_161 : memref<8192x32xf32, #tpu.memory_space<hbm>>) target(%dma_start3A_156 : memref<128x32xf32, #tpu.memory_space<vmem>>) offsets(%dma_start3A_158 : memref<128xi32, #tpu.memory_space<vmem>>) semaphore(%arg7 : memref<!tpu.dma_semaphore, #tpu.memory_space<semaphore_mem>>)
    %dma_start3A_162 = arith.constant 2560 : i32
    %dma_start3A_163 = arith.constant 0 : i32
    %dma_start3A_164 = tpu.memref_slice %arg6[%dma_start3A_162, %dma_start3A_163] : memref<3072x32xf32, #tpu.memory_space<vmem>> -> memref<128x32xf32, #tpu.memory_space<vmem>>
    %dma_start3A_165 = arith.constant 2560 : i32
    %dma_start3A_166 = tpu.memref_slice %arg5[%dma_start3A_165] : memref<3072xi32, #tpu.memory_space<vmem>> -> memref<128xi32, #tpu.memory_space<vmem>>
    %dma_start3A_167 = arith.constant 0 : i32
    %dma_start3A_168 = arith.constant 0 : i32
    %dma_start3A_169 = tpu.memref_slice %arg2[%dma_start3A_167, %dma_start3A_168] : memref<8192x32xf32, #tpu.memory_space<hbm>> -> memref<8192x32xf32, #tpu.memory_space<hbm>>
    tpu.enqueue_indirect_dma source(%dma_start3A_169 : memref<8192x32xf32, #tpu.memory_space<hbm>>) target(%dma_start3A_164 : memref<128x32xf32, #tpu.memory_space<vmem>>) offsets(%dma_start3A_166 : memref<128xi32, #tpu.memory_space<vmem>>) semaphore(%arg7 : memref<!tpu.dma_semaphore, #tpu.memory_space<semaphore_mem>>)
    %dma_start3A_170 = arith.constant 2688 : i32
    %dma_start3A_171 = arith.constant 0 : i32
    %dma_start3A_172 = tpu.memref_slice %arg6[%dma_start3A_170, %dma_start3A_171] : memref<3072x32xf32, #tpu.memory_space<vmem>> -> memref<128x32xf32, #tpu.memory_space<vmem>>
    %dma_start3A_173 = arith.constant 2688 : i32
    %dma_start3A_174 = tpu.memref_slice %arg5[%dma_start3A_173] : memref<3072xi32, #tpu.memory_space<vmem>> -> memref<128xi32, #tpu.memory_space<vmem>>
    %dma_start3A_175 = arith.constant 0 : i32
    %dma_start3A_176 = arith.constant 0 : i32
    %dma_start3A_177 = tpu.memref_slice %arg2[%dma_start3A_175, %dma_start3A_176] : memref<8192x32xf32, #tpu.memory_space<hbm>> -> memref<8192x32xf32, #tpu.memory_space<hbm>>
    tpu.enqueue_indirect_dma source(%dma_start3A_177 : memref<8192x32xf32, #tpu.memory_space<hbm>>) target(%dma_start3A_172 : memref<128x32xf32, #tpu.memory_space<vmem>>) offsets(%dma_start3A_174 : memref<128xi32, #tpu.memory_space<vmem>>) semaphore(%arg7 : memref<!tpu.dma_semaphore, #tpu.memory_space<semaphore_mem>>)
    %dma_start3A_178 = arith.constant 2816 : i32
    %dma_start3A_179 = arith.constant 0 : i32
    %dma_start3A_180 = tpu.memref_slice %arg6[%dma_start3A_178, %dma_start3A_179] : memref<3072x32xf32, #tpu.memory_space<vmem>> -> memref<128x32xf32, #tpu.memory_space<vmem>>
    %dma_start3A_181 = arith.constant 2816 : i32
    %dma_start3A_182 = tpu.memref_slice %arg5[%dma_start3A_181] : memref<3072xi32, #tpu.memory_space<vmem>> -> memref<128xi32, #tpu.memory_space<vmem>>
    %dma_start3A_183 = arith.constant 0 : i32
    %dma_start3A_184 = arith.constant 0 : i32
    %dma_start3A_185 = tpu.memref_slice %arg2[%dma_start3A_183, %dma_start3A_184] : memref<8192x32xf32, #tpu.memory_space<hbm>> -> memref<8192x32xf32, #tpu.memory_space<hbm>>
    tpu.enqueue_indirect_dma source(%dma_start3A_185 : memref<8192x32xf32, #tpu.memory_space<hbm>>) target(%dma_start3A_180 : memref<128x32xf32, #tpu.memory_space<vmem>>) offsets(%dma_start3A_182 : memref<128xi32, #tpu.memory_space<vmem>>) semaphore(%arg7 : memref<!tpu.dma_semaphore, #tpu.memory_space<semaphore_mem>>)
    %dma_start3A_186 = arith.constant 2944 : i32
    %dma_start3A_187 = arith.constant 0 : i32
    %dma_start3A_188 = tpu.memref_slice %arg6[%dma_start3A_186, %dma_start3A_187] : memref<3072x32xf32, #tpu.memory_space<vmem>> -> memref<128x32xf32, #tpu.memory_space<vmem>>
    %dma_start3A_189 = arith.constant 2944 : i32
    %dma_start3A_190 = tpu.memref_slice %arg5[%dma_start3A_189] : memref<3072xi32, #tpu.memory_space<vmem>> -> memref<128xi32, #tpu.memory_space<vmem>>
    %dma_start3A_191 = arith.constant 0 : i32
    %dma_start3A_192 = arith.constant 0 : i32
    %dma_start3A_193 = tpu.memref_slice %arg2[%dma_start3A_191, %dma_start3A_192] : memref<8192x32xf32, #tpu.memory_space<hbm>> -> memref<8192x32xf32, #tpu.memory_space<hbm>>
    tpu.enqueue_indirect_dma source(%dma_start3A_193 : memref<8192x32xf32, #tpu.memory_space<hbm>>) target(%dma_start3A_188 : memref<128x32xf32, #tpu.memory_space<vmem>>) offsets(%dma_start3A_190 : memref<128xi32, #tpu.memory_space<vmem>>) semaphore(%arg7 : memref<!tpu.dma_semaphore, #tpu.memory_space<semaphore_mem>>)
    %dma_wait3A = arith.constant 0 : i32
    %dma_wait3A_194 = arith.constant 0 : i32
    %dma_wait3A_195 = tpu.memref_slice %arg6[%dma_wait3A, %dma_wait3A_194] : memref<3072x32xf32, #tpu.memory_space<vmem>> -> memref<128x32xf32, #tpu.memory_space<vmem>>
    %dma_wait3A_196 = arith.constant 0 : i32
    %dma_wait3A_197 = tpu.memref_slice %arg5[%dma_wait3A_196] : memref<3072xi32, #tpu.memory_space<vmem>> -> memref<128xi32, #tpu.memory_space<vmem>>
    %dma_wait3A_198 = arith.constant 0 : i32
    %dma_wait3A_199 = arith.constant 0 : i32
    %dma_wait3A_200 = tpu.memref_slice %arg2[%dma_wait3A_198, %dma_wait3A_199] : memref<8192x32xf32, #tpu.memory_space<hbm>> -> memref<8192x32xf32, #tpu.memory_space<hbm>>
    tpu.wait_indirect_dma semaphore(%arg7 : memref<!tpu.dma_semaphore, #tpu.memory_space<semaphore_mem>>) src(%dma_wait3A_200 : memref<8192x32xf32, #tpu.memory_space<hbm>>) dst(%dma_wait3A_195 : memref<128x32xf32, #tpu.memory_space<vmem>>)
    %dma_wait3A_201 = arith.constant 128 : i32
    %dma_wait3A_202 = arith.constant 0 : i32
    %dma_wait3A_203 = tpu.memref_slice %arg6[%dma_wait3A_201, %dma_wait3A_202] : memref<3072x32xf32, #tpu.memory_space<vmem>> -> memref<128x32xf32, #tpu.memory_space<vmem>>
    %dma_wait3A_204 = arith.constant 128 : i32
    %dma_wait3A_205 = tpu.memref_slice %arg5[%dma_wait3A_204] : memref<3072xi32, #tpu.memory_space<vmem>> -> memref<128xi32, #tpu.memory_space<vmem>>
    %dma_wait3A_206 = arith.constant 0 : i32
    %dma_wait3A_207 = arith.constant 0 : i32
    %dma_wait3A_208 = tpu.memref_slice %arg2[%dma_wait3A_206, %dma_wait3A_207] : memref<8192x32xf32, #tpu.memory_space<hbm>> -> memref<8192x32xf32, #tpu.memory_space<hbm>>
    tpu.wait_indirect_dma semaphore(%arg7 : memref<!tpu.dma_semaphore, #tpu.memory_space<semaphore_mem>>) src(%dma_wait3A_208 : memref<8192x32xf32, #tpu.memory_space<hbm>>) dst(%dma_wait3A_203 : memref<128x32xf32, #tpu.memory_space<vmem>>)
    %dma_wait3A_209 = arith.constant 256 : i32
    %dma_wait3A_210 = arith.constant 0 : i32
    %dma_wait3A_211 = tpu.memref_slice %arg6[%dma_wait3A_209, %dma_wait3A_210] : memref<3072x32xf32, #tpu.memory_space<vmem>> -> memref<128x32xf32, #tpu.memory_space<vmem>>
    %dma_wait3A_212 = arith.constant 256 : i32
    %dma_wait3A_213 = tpu.memref_slice %arg5[%dma_wait3A_212] : memref<3072xi32, #tpu.memory_space<vmem>> -> memref<128xi32, #tpu.memory_space<vmem>>
    %dma_wait3A_214 = arith.constant 0 : i32
    %dma_wait3A_215 = arith.constant 0 : i32
    %dma_wait3A_216 = tpu.memref_slice %arg2[%dma_wait3A_214, %dma_wait3A_215] : memref<8192x32xf32, #tpu.memory_space<hbm>> -> memref<8192x32xf32, #tpu.memory_space<hbm>>
    tpu.wait_indirect_dma semaphore(%arg7 : memref<!tpu.dma_semaphore, #tpu.memory_space<semaphore_mem>>) src(%dma_wait3A_216 : memref<8192x32xf32, #tpu.memory_space<hbm>>) dst(%dma_wait3A_211 : memref<128x32xf32, #tpu.memory_space<vmem>>)
    %dma_wait3A_217 = arith.constant 384 : i32
    %dma_wait3A_218 = arith.constant 0 : i32
    %dma_wait3A_219 = tpu.memref_slice %arg6[%dma_wait3A_217, %dma_wait3A_218] : memref<3072x32xf32, #tpu.memory_space<vmem>> -> memref<128x32xf32, #tpu.memory_space<vmem>>
    %dma_wait3A_220 = arith.constant 384 : i32
    %dma_wait3A_221 = tpu.memref_slice %arg5[%dma_wait3A_220] : memref<3072xi32, #tpu.memory_space<vmem>> -> memref<128xi32, #tpu.memory_space<vmem>>
    %dma_wait3A_222 = arith.constant 0 : i32
    %dma_wait3A_223 = arith.constant 0 : i32
    %dma_wait3A_224 = tpu.memref_slice %arg2[%dma_wait3A_222, %dma_wait3A_223] : memref<8192x32xf32, #tpu.memory_space<hbm>> -> memref<8192x32xf32, #tpu.memory_space<hbm>>
    tpu.wait_indirect_dma semaphore(%arg7 : memref<!tpu.dma_semaphore, #tpu.memory_space<semaphore_mem>>) src(%dma_wait3A_224 : memref<8192x32xf32, #tpu.memory_space<hbm>>) dst(%dma_wait3A_219 : memref<128x32xf32, #tpu.memory_space<vmem>>)
    %dma_wait3A_225 = arith.constant 512 : i32
    %dma_wait3A_226 = arith.constant 0 : i32
    %dma_wait3A_227 = tpu.memref_slice %arg6[%dma_wait3A_225, %dma_wait3A_226] : memref<3072x32xf32, #tpu.memory_space<vmem>> -> memref<128x32xf32, #tpu.memory_space<vmem>>
    %dma_wait3A_228 = arith.constant 512 : i32
    %dma_wait3A_229 = tpu.memref_slice %arg5[%dma_wait3A_228] : memref<3072xi32, #tpu.memory_space<vmem>> -> memref<128xi32, #tpu.memory_space<vmem>>
    %dma_wait3A_230 = arith.constant 0 : i32
    %dma_wait3A_231 = arith.constant 0 : i32
    %dma_wait3A_232 = tpu.memref_slice %arg2[%dma_wait3A_230, %dma_wait3A_231] : memref<8192x32xf32, #tpu.memory_space<hbm>> -> memref<8192x32xf32, #tpu.memory_space<hbm>>
    tpu.wait_indirect_dma semaphore(%arg7 : memref<!tpu.dma_semaphore, #tpu.memory_space<semaphore_mem>>) src(%dma_wait3A_232 : memref<8192x32xf32, #tpu.memory_space<hbm>>) dst(%dma_wait3A_227 : memref<128x32xf32, #tpu.memory_space<vmem>>)
    %dma_wait3A_233 = arith.constant 640 : i32
    %dma_wait3A_234 = arith.constant 0 : i32
    %dma_wait3A_235 = tpu.memref_slice %arg6[%dma_wait3A_233, %dma_wait3A_234] : memref<3072x32xf32, #tpu.memory_space<vmem>> -> memref<128x32xf32, #tpu.memory_space<vmem>>
    %dma_wait3A_236 = arith.constant 640 : i32
    %dma_wait3A_237 = tpu.memref_slice %arg5[%dma_wait3A_236] : memref<3072xi32, #tpu.memory_space<vmem>> -> memref<128xi32, #tpu.memory_space<vmem>>
    %dma_wait3A_238 = arith.constant 0 : i32
    %dma_wait3A_239 = arith.constant 0 : i32
    %dma_wait3A_240 = tpu.memref_slice %arg2[%dma_wait3A_238, %dma_wait3A_239] : memref<8192x32xf32, #tpu.memory_space<hbm>> -> memref<8192x32xf32, #tpu.memory_space<hbm>>
    tpu.wait_indirect_dma semaphore(%arg7 : memref<!tpu.dma_semaphore, #tpu.memory_space<semaphore_mem>>) src(%dma_wait3A_240 : memref<8192x32xf32, #tpu.memory_space<hbm>>) dst(%dma_wait3A_235 : memref<128x32xf32, #tpu.memory_space<vmem>>)
    %dma_wait3A_241 = arith.constant 768 : i32
    %dma_wait3A_242 = arith.constant 0 : i32
    %dma_wait3A_243 = tpu.memref_slice %arg6[%dma_wait3A_241, %dma_wait3A_242] : memref<3072x32xf32, #tpu.memory_space<vmem>> -> memref<128x32xf32, #tpu.memory_space<vmem>>
    %dma_wait3A_244 = arith.constant 768 : i32
    %dma_wait3A_245 = tpu.memref_slice %arg5[%dma_wait3A_244] : memref<3072xi32, #tpu.memory_space<vmem>> -> memref<128xi32, #tpu.memory_space<vmem>>
    %dma_wait3A_246 = arith.constant 0 : i32
    %dma_wait3A_247 = arith.constant 0 : i32
    %dma_wait3A_248 = tpu.memref_slice %arg2[%dma_wait3A_246, %dma_wait3A_247] : memref<8192x32xf32, #tpu.memory_space<hbm>> -> memref<8192x32xf32, #tpu.memory_space<hbm>>
    tpu.wait_indirect_dma semaphore(%arg7 : memref<!tpu.dma_semaphore, #tpu.memory_space<semaphore_mem>>) src(%dma_wait3A_248 : memref<8192x32xf32, #tpu.memory_space<hbm>>) dst(%dma_wait3A_243 : memref<128x32xf32, #tpu.memory_space<vmem>>)
    %dma_wait3A_249 = arith.constant 896 : i32
    %dma_wait3A_250 = arith.constant 0 : i32
    %dma_wait3A_251 = tpu.memref_slice %arg6[%dma_wait3A_249, %dma_wait3A_250] : memref<3072x32xf32, #tpu.memory_space<vmem>> -> memref<128x32xf32, #tpu.memory_space<vmem>>
    %dma_wait3A_252 = arith.constant 896 : i32
    %dma_wait3A_253 = tpu.memref_slice %arg5[%dma_wait3A_252] : memref<3072xi32, #tpu.memory_space<vmem>> -> memref<128xi32, #tpu.memory_space<vmem>>
    %dma_wait3A_254 = arith.constant 0 : i32
    %dma_wait3A_255 = arith.constant 0 : i32
    %dma_wait3A_256 = tpu.memref_slice %arg2[%dma_wait3A_254, %dma_wait3A_255] : memref<8192x32xf32, #tpu.memory_space<hbm>> -> memref<8192x32xf32, #tpu.memory_space<hbm>>
    tpu.wait_indirect_dma semaphore(%arg7 : memref<!tpu.dma_semaphore, #tpu.memory_space<semaphore_mem>>) src(%dma_wait3A_256 : memref<8192x32xf32, #tpu.memory_space<hbm>>) dst(%dma_wait3A_251 : memref<128x32xf32, #tpu.memory_space<vmem>>)
    %dma_wait3A_257 = arith.constant 1024 : i32
    %dma_wait3A_258 = arith.constant 0 : i32
    %dma_wait3A_259 = tpu.memref_slice %arg6[%dma_wait3A_257, %dma_wait3A_258] : memref<3072x32xf32, #tpu.memory_space<vmem>> -> memref<128x32xf32, #tpu.memory_space<vmem>>
    %dma_wait3A_260 = arith.constant 1024 : i32
    %dma_wait3A_261 = tpu.memref_slice %arg5[%dma_wait3A_260] : memref<3072xi32, #tpu.memory_space<vmem>> -> memref<128xi32, #tpu.memory_space<vmem>>
    %dma_wait3A_262 = arith.constant 0 : i32
    %dma_wait3A_263 = arith.constant 0 : i32
    %dma_wait3A_264 = tpu.memref_slice %arg2[%dma_wait3A_262, %dma_wait3A_263] : memref<8192x32xf32, #tpu.memory_space<hbm>> -> memref<8192x32xf32, #tpu.memory_space<hbm>>
    tpu.wait_indirect_dma semaphore(%arg7 : memref<!tpu.dma_semaphore, #tpu.memory_space<semaphore_mem>>) src(%dma_wait3A_264 : memref<8192x32xf32, #tpu.memory_space<hbm>>) dst(%dma_wait3A_259 : memref<128x32xf32, #tpu.memory_space<vmem>>)
    %dma_wait3A_265 = arith.constant 1152 : i32
    %dma_wait3A_266 = arith.constant 0 : i32
    %dma_wait3A_267 = tpu.memref_slice %arg6[%dma_wait3A_265, %dma_wait3A_266] : memref<3072x32xf32, #tpu.memory_space<vmem>> -> memref<128x32xf32, #tpu.memory_space<vmem>>
    %dma_wait3A_268 = arith.constant 1152 : i32
    %dma_wait3A_269 = tpu.memref_slice %arg5[%dma_wait3A_268] : memref<3072xi32, #tpu.memory_space<vmem>> -> memref<128xi32, #tpu.memory_space<vmem>>
    %dma_wait3A_270 = arith.constant 0 : i32
    %dma_wait3A_271 = arith.constant 0 : i32
    %dma_wait3A_272 = tpu.memref_slice %arg2[%dma_wait3A_270, %dma_wait3A_271] : memref<8192x32xf32, #tpu.memory_space<hbm>> -> memref<8192x32xf32, #tpu.memory_space<hbm>>
    tpu.wait_indirect_dma semaphore(%arg7 : memref<!tpu.dma_semaphore, #tpu.memory_space<semaphore_mem>>) src(%dma_wait3A_272 : memref<8192x32xf32, #tpu.memory_space<hbm>>) dst(%dma_wait3A_267 : memref<128x32xf32, #tpu.memory_space<vmem>>)
    %dma_wait3A_273 = arith.constant 1280 : i32
    %dma_wait3A_274 = arith.constant 0 : i32
    %dma_wait3A_275 = tpu.memref_slice %arg6[%dma_wait3A_273, %dma_wait3A_274] : memref<3072x32xf32, #tpu.memory_space<vmem>> -> memref<128x32xf32, #tpu.memory_space<vmem>>
    %dma_wait3A_276 = arith.constant 1280 : i32
    %dma_wait3A_277 = tpu.memref_slice %arg5[%dma_wait3A_276] : memref<3072xi32, #tpu.memory_space<vmem>> -> memref<128xi32, #tpu.memory_space<vmem>>
    %dma_wait3A_278 = arith.constant 0 : i32
    %dma_wait3A_279 = arith.constant 0 : i32
    %dma_wait3A_280 = tpu.memref_slice %arg2[%dma_wait3A_278, %dma_wait3A_279] : memref<8192x32xf32, #tpu.memory_space<hbm>> -> memref<8192x32xf32, #tpu.memory_space<hbm>>
    tpu.wait_indirect_dma semaphore(%arg7 : memref<!tpu.dma_semaphore, #tpu.memory_space<semaphore_mem>>) src(%dma_wait3A_280 : memref<8192x32xf32, #tpu.memory_space<hbm>>) dst(%dma_wait3A_275 : memref<128x32xf32, #tpu.memory_space<vmem>>)
    %dma_wait3A_281 = arith.constant 1408 : i32
    %dma_wait3A_282 = arith.constant 0 : i32
    %dma_wait3A_283 = tpu.memref_slice %arg6[%dma_wait3A_281, %dma_wait3A_282] : memref<3072x32xf32, #tpu.memory_space<vmem>> -> memref<128x32xf32, #tpu.memory_space<vmem>>
    %dma_wait3A_284 = arith.constant 1408 : i32
    %dma_wait3A_285 = tpu.memref_slice %arg5[%dma_wait3A_284] : memref<3072xi32, #tpu.memory_space<vmem>> -> memref<128xi32, #tpu.memory_space<vmem>>
    %dma_wait3A_286 = arith.constant 0 : i32
    %dma_wait3A_287 = arith.constant 0 : i32
    %dma_wait3A_288 = tpu.memref_slice %arg2[%dma_wait3A_286, %dma_wait3A_287] : memref<8192x32xf32, #tpu.memory_space<hbm>> -> memref<8192x32xf32, #tpu.memory_space<hbm>>
    tpu.wait_indirect_dma semaphore(%arg7 : memref<!tpu.dma_semaphore, #tpu.memory_space<semaphore_mem>>) src(%dma_wait3A_288 : memref<8192x32xf32, #tpu.memory_space<hbm>>) dst(%dma_wait3A_283 : memref<128x32xf32, #tpu.memory_space<vmem>>)
    %dma_wait3A_289 = arith.constant 1536 : i32
    %dma_wait3A_290 = arith.constant 0 : i32
    %dma_wait3A_291 = tpu.memref_slice %arg6[%dma_wait3A_289, %dma_wait3A_290] : memref<3072x32xf32, #tpu.memory_space<vmem>> -> memref<128x32xf32, #tpu.memory_space<vmem>>
    %dma_wait3A_292 = arith.constant 1536 : i32
    %dma_wait3A_293 = tpu.memref_slice %arg5[%dma_wait3A_292] : memref<3072xi32, #tpu.memory_space<vmem>> -> memref<128xi32, #tpu.memory_space<vmem>>
    %dma_wait3A_294 = arith.constant 0 : i32
    %dma_wait3A_295 = arith.constant 0 : i32
    %dma_wait3A_296 = tpu.memref_slice %arg2[%dma_wait3A_294, %dma_wait3A_295] : memref<8192x32xf32, #tpu.memory_space<hbm>> -> memref<8192x32xf32, #tpu.memory_space<hbm>>
    tpu.wait_indirect_dma semaphore(%arg7 : memref<!tpu.dma_semaphore, #tpu.memory_space<semaphore_mem>>) src(%dma_wait3A_296 : memref<8192x32xf32, #tpu.memory_space<hbm>>) dst(%dma_wait3A_291 : memref<128x32xf32, #tpu.memory_space<vmem>>)
    %dma_wait3A_297 = arith.constant 1664 : i32
    %dma_wait3A_298 = arith.constant 0 : i32
    %dma_wait3A_299 = tpu.memref_slice %arg6[%dma_wait3A_297, %dma_wait3A_298] : memref<3072x32xf32, #tpu.memory_space<vmem>> -> memref<128x32xf32, #tpu.memory_space<vmem>>
    %dma_wait3A_300 = arith.constant 1664 : i32
    %dma_wait3A_301 = tpu.memref_slice %arg5[%dma_wait3A_300] : memref<3072xi32, #tpu.memory_space<vmem>> -> memref<128xi32, #tpu.memory_space<vmem>>
    %dma_wait3A_302 = arith.constant 0 : i32
    %dma_wait3A_303 = arith.constant 0 : i32
    %dma_wait3A_304 = tpu.memref_slice %arg2[%dma_wait3A_302, %dma_wait3A_303] : memref<8192x32xf32, #tpu.memory_space<hbm>> -> memref<8192x32xf32, #tpu.memory_space<hbm>>
    tpu.wait_indirect_dma semaphore(%arg7 : memref<!tpu.dma_semaphore, #tpu.memory_space<semaphore_mem>>) src(%dma_wait3A_304 : memref<8192x32xf32, #tpu.memory_space<hbm>>) dst(%dma_wait3A_299 : memref<128x32xf32, #tpu.memory_space<vmem>>)
    %dma_wait3A_305 = arith.constant 1792 : i32
    %dma_wait3A_306 = arith.constant 0 : i32
    %dma_wait3A_307 = tpu.memref_slice %arg6[%dma_wait3A_305, %dma_wait3A_306] : memref<3072x32xf32, #tpu.memory_space<vmem>> -> memref<128x32xf32, #tpu.memory_space<vmem>>
    %dma_wait3A_308 = arith.constant 1792 : i32
    %dma_wait3A_309 = tpu.memref_slice %arg5[%dma_wait3A_308] : memref<3072xi32, #tpu.memory_space<vmem>> -> memref<128xi32, #tpu.memory_space<vmem>>
    %dma_wait3A_310 = arith.constant 0 : i32
    %dma_wait3A_311 = arith.constant 0 : i32
    %dma_wait3A_312 = tpu.memref_slice %arg2[%dma_wait3A_310, %dma_wait3A_311] : memref<8192x32xf32, #tpu.memory_space<hbm>> -> memref<8192x32xf32, #tpu.memory_space<hbm>>
    tpu.wait_indirect_dma semaphore(%arg7 : memref<!tpu.dma_semaphore, #tpu.memory_space<semaphore_mem>>) src(%dma_wait3A_312 : memref<8192x32xf32, #tpu.memory_space<hbm>>) dst(%dma_wait3A_307 : memref<128x32xf32, #tpu.memory_space<vmem>>)
    %dma_wait3A_313 = arith.constant 1920 : i32
    %dma_wait3A_314 = arith.constant 0 : i32
    %dma_wait3A_315 = tpu.memref_slice %arg6[%dma_wait3A_313, %dma_wait3A_314] : memref<3072x32xf32, #tpu.memory_space<vmem>> -> memref<128x32xf32, #tpu.memory_space<vmem>>
    %dma_wait3A_316 = arith.constant 1920 : i32
    %dma_wait3A_317 = tpu.memref_slice %arg5[%dma_wait3A_316] : memref<3072xi32, #tpu.memory_space<vmem>> -> memref<128xi32, #tpu.memory_space<vmem>>
    %dma_wait3A_318 = arith.constant 0 : i32
    %dma_wait3A_319 = arith.constant 0 : i32
    %dma_wait3A_320 = tpu.memref_slice %arg2[%dma_wait3A_318, %dma_wait3A_319] : memref<8192x32xf32, #tpu.memory_space<hbm>> -> memref<8192x32xf32, #tpu.memory_space<hbm>>
    tpu.wait_indirect_dma semaphore(%arg7 : memref<!tpu.dma_semaphore, #tpu.memory_space<semaphore_mem>>) src(%dma_wait3A_320 : memref<8192x32xf32, #tpu.memory_space<hbm>>) dst(%dma_wait3A_315 : memref<128x32xf32, #tpu.memory_space<vmem>>)
    %dma_wait3A_321 = arith.constant 2048 : i32
    %dma_wait3A_322 = arith.constant 0 : i32
    %dma_wait3A_323 = tpu.memref_slice %arg6[%dma_wait3A_321, %dma_wait3A_322] : memref<3072x32xf32, #tpu.memory_space<vmem>> -> memref<128x32xf32, #tpu.memory_space<vmem>>
    %dma_wait3A_324 = arith.constant 2048 : i32
    %dma_wait3A_325 = tpu.memref_slice %arg5[%dma_wait3A_324] : memref<3072xi32, #tpu.memory_space<vmem>> -> memref<128xi32, #tpu.memory_space<vmem>>
    %dma_wait3A_326 = arith.constant 0 : i32
    %dma_wait3A_327 = arith.constant 0 : i32
    %dma_wait3A_328 = tpu.memref_slice %arg2[%dma_wait3A_326, %dma_wait3A_327] : memref<8192x32xf32, #tpu.memory_space<hbm>> -> memref<8192x32xf32, #tpu.memory_space<hbm>>
    tpu.wait_indirect_dma semaphore(%arg7 : memref<!tpu.dma_semaphore, #tpu.memory_space<semaphore_mem>>) src(%dma_wait3A_328 : memref<8192x32xf32, #tpu.memory_space<hbm>>) dst(%dma_wait3A_323 : memref<128x32xf32, #tpu.memory_space<vmem>>)
    %dma_wait3A_329 = arith.constant 2176 : i32
    %dma_wait3A_330 = arith.constant 0 : i32
    %dma_wait3A_331 = tpu.memref_slice %arg6[%dma_wait3A_329, %dma_wait3A_330] : memref<3072x32xf32, #tpu.memory_space<vmem>> -> memref<128x32xf32, #tpu.memory_space<vmem>>
    %dma_wait3A_332 = arith.constant 2176 : i32
    %dma_wait3A_333 = tpu.memref_slice %arg5[%dma_wait3A_332] : memref<3072xi32, #tpu.memory_space<vmem>> -> memref<128xi32, #tpu.memory_space<vmem>>
    %dma_wait3A_334 = arith.constant 0 : i32
    %dma_wait3A_335 = arith.constant 0 : i32
    %dma_wait3A_336 = tpu.memref_slice %arg2[%dma_wait3A_334, %dma_wait3A_335] : memref<8192x32xf32, #tpu.memory_space<hbm>> -> memref<8192x32xf32, #tpu.memory_space<hbm>>
    tpu.wait_indirect_dma semaphore(%arg7 : memref<!tpu.dma_semaphore, #tpu.memory_space<semaphore_mem>>) src(%dma_wait3A_336 : memref<8192x32xf32, #tpu.memory_space<hbm>>) dst(%dma_wait3A_331 : memref<128x32xf32, #tpu.memory_space<vmem>>)
    %dma_wait3A_337 = arith.constant 2304 : i32
    %dma_wait3A_338 = arith.constant 0 : i32
    %dma_wait3A_339 = tpu.memref_slice %arg6[%dma_wait3A_337, %dma_wait3A_338] : memref<3072x32xf32, #tpu.memory_space<vmem>> -> memref<128x32xf32, #tpu.memory_space<vmem>>
    %dma_wait3A_340 = arith.constant 2304 : i32
    %dma_wait3A_341 = tpu.memref_slice %arg5[%dma_wait3A_340] : memref<3072xi32, #tpu.memory_space<vmem>> -> memref<128xi32, #tpu.memory_space<vmem>>
    %dma_wait3A_342 = arith.constant 0 : i32
    %dma_wait3A_343 = arith.constant 0 : i32
    %dma_wait3A_344 = tpu.memref_slice %arg2[%dma_wait3A_342, %dma_wait3A_343] : memref<8192x32xf32, #tpu.memory_space<hbm>> -> memref<8192x32xf32, #tpu.memory_space<hbm>>
    tpu.wait_indirect_dma semaphore(%arg7 : memref<!tpu.dma_semaphore, #tpu.memory_space<semaphore_mem>>) src(%dma_wait3A_344 : memref<8192x32xf32, #tpu.memory_space<hbm>>) dst(%dma_wait3A_339 : memref<128x32xf32, #tpu.memory_space<vmem>>)
    %dma_wait3A_345 = arith.constant 2432 : i32
    %dma_wait3A_346 = arith.constant 0 : i32
    %dma_wait3A_347 = tpu.memref_slice %arg6[%dma_wait3A_345, %dma_wait3A_346] : memref<3072x32xf32, #tpu.memory_space<vmem>> -> memref<128x32xf32, #tpu.memory_space<vmem>>
    %dma_wait3A_348 = arith.constant 2432 : i32
    %dma_wait3A_349 = tpu.memref_slice %arg5[%dma_wait3A_348] : memref<3072xi32, #tpu.memory_space<vmem>> -> memref<128xi32, #tpu.memory_space<vmem>>
    %dma_wait3A_350 = arith.constant 0 : i32
    %dma_wait3A_351 = arith.constant 0 : i32
    %dma_wait3A_352 = tpu.memref_slice %arg2[%dma_wait3A_350, %dma_wait3A_351] : memref<8192x32xf32, #tpu.memory_space<hbm>> -> memref<8192x32xf32, #tpu.memory_space<hbm>>
    tpu.wait_indirect_dma semaphore(%arg7 : memref<!tpu.dma_semaphore, #tpu.memory_space<semaphore_mem>>) src(%dma_wait3A_352 : memref<8192x32xf32, #tpu.memory_space<hbm>>) dst(%dma_wait3A_347 : memref<128x32xf32, #tpu.memory_space<vmem>>)
    %dma_wait3A_353 = arith.constant 2560 : i32
    %dma_wait3A_354 = arith.constant 0 : i32
    %dma_wait3A_355 = tpu.memref_slice %arg6[%dma_wait3A_353, %dma_wait3A_354] : memref<3072x32xf32, #tpu.memory_space<vmem>> -> memref<128x32xf32, #tpu.memory_space<vmem>>
    %dma_wait3A_356 = arith.constant 2560 : i32
    %dma_wait3A_357 = tpu.memref_slice %arg5[%dma_wait3A_356] : memref<3072xi32, #tpu.memory_space<vmem>> -> memref<128xi32, #tpu.memory_space<vmem>>
    %dma_wait3A_358 = arith.constant 0 : i32
    %dma_wait3A_359 = arith.constant 0 : i32
    %dma_wait3A_360 = tpu.memref_slice %arg2[%dma_wait3A_358, %dma_wait3A_359] : memref<8192x32xf32, #tpu.memory_space<hbm>> -> memref<8192x32xf32, #tpu.memory_space<hbm>>
    tpu.wait_indirect_dma semaphore(%arg7 : memref<!tpu.dma_semaphore, #tpu.memory_space<semaphore_mem>>) src(%dma_wait3A_360 : memref<8192x32xf32, #tpu.memory_space<hbm>>) dst(%dma_wait3A_355 : memref<128x32xf32, #tpu.memory_space<vmem>>)
    %dma_wait3A_361 = arith.constant 2688 : i32
    %dma_wait3A_362 = arith.constant 0 : i32
    %dma_wait3A_363 = tpu.memref_slice %arg6[%dma_wait3A_361, %dma_wait3A_362] : memref<3072x32xf32, #tpu.memory_space<vmem>> -> memref<128x32xf32, #tpu.memory_space<vmem>>
    %dma_wait3A_364 = arith.constant 2688 : i32
    %dma_wait3A_365 = tpu.memref_slice %arg5[%dma_wait3A_364] : memref<3072xi32, #tpu.memory_space<vmem>> -> memref<128xi32, #tpu.memory_space<vmem>>
    %dma_wait3A_366 = arith.constant 0 : i32
    %dma_wait3A_367 = arith.constant 0 : i32
    %dma_wait3A_368 = tpu.memref_slice %arg2[%dma_wait3A_366, %dma_wait3A_367] : memref<8192x32xf32, #tpu.memory_space<hbm>> -> memref<8192x32xf32, #tpu.memory_space<hbm>>
    tpu.wait_indirect_dma semaphore(%arg7 : memref<!tpu.dma_semaphore, #tpu.memory_space<semaphore_mem>>) src(%dma_wait3A_368 : memref<8192x32xf32, #tpu.memory_space<hbm>>) dst(%dma_wait3A_363 : memref<128x32xf32, #tpu.memory_space<vmem>>)
    %dma_wait3A_369 = arith.constant 2816 : i32
    %dma_wait3A_370 = arith.constant 0 : i32
    %dma_wait3A_371 = tpu.memref_slice %arg6[%dma_wait3A_369, %dma_wait3A_370] : memref<3072x32xf32, #tpu.memory_space<vmem>> -> memref<128x32xf32, #tpu.memory_space<vmem>>
    %dma_wait3A_372 = arith.constant 2816 : i32
    %dma_wait3A_373 = tpu.memref_slice %arg5[%dma_wait3A_372] : memref<3072xi32, #tpu.memory_space<vmem>> -> memref<128xi32, #tpu.memory_space<vmem>>
    %dma_wait3A_374 = arith.constant 0 : i32
    %dma_wait3A_375 = arith.constant 0 : i32
    %dma_wait3A_376 = tpu.memref_slice %arg2[%dma_wait3A_374, %dma_wait3A_375] : memref<8192x32xf32, #tpu.memory_space<hbm>> -> memref<8192x32xf32, #tpu.memory_space<hbm>>
    tpu.wait_indirect_dma semaphore(%arg7 : memref<!tpu.dma_semaphore, #tpu.memory_space<semaphore_mem>>) src(%dma_wait3A_376 : memref<8192x32xf32, #tpu.memory_space<hbm>>) dst(%dma_wait3A_371 : memref<128x32xf32, #tpu.memory_space<vmem>>)
    %dma_wait3A_377 = arith.constant 2944 : i32
    %dma_wait3A_378 = arith.constant 0 : i32
    %dma_wait3A_379 = tpu.memref_slice %arg6[%dma_wait3A_377, %dma_wait3A_378] : memref<3072x32xf32, #tpu.memory_space<vmem>> -> memref<128x32xf32, #tpu.memory_space<vmem>>
    %dma_wait3A_380 = arith.constant 2944 : i32
    %dma_wait3A_381 = tpu.memref_slice %arg5[%dma_wait3A_380] : memref<3072xi32, #tpu.memory_space<vmem>> -> memref<128xi32, #tpu.memory_space<vmem>>
    %dma_wait3A_382 = arith.constant 0 : i32
    %dma_wait3A_383 = arith.constant 0 : i32
    %dma_wait3A_384 = tpu.memref_slice %arg2[%dma_wait3A_382, %dma_wait3A_383] : memref<8192x32xf32, #tpu.memory_space<hbm>> -> memref<8192x32xf32, #tpu.memory_space<hbm>>
    tpu.wait_indirect_dma semaphore(%arg7 : memref<!tpu.dma_semaphore, #tpu.memory_space<semaphore_mem>>) src(%dma_wait3A_384 : memref<8192x32xf32, #tpu.memory_space<hbm>>) dst(%dma_wait3A_379 : memref<128x32xf32, #tpu.memory_space<vmem>>)
    "tpu.region"() ({
      %run_scoped3A = tpu.sem_alloc : memref<!tpu.dma_semaphore, #tpu.memory_space<semaphore_mem>>
      %dma_start3A_385 = arith.constant 0 : i32
      %dma_start3A_386 = tpu.memref_slice %arg4[%mul3A_2, %dma_start3A_385] : memref<98304x32xf32, #tpu.memory_space<hbm>> -> memref<3072x32xf32, #tpu.memory_space<hbm>>
      %dma_start3A_387 = arith.constant 0 : i32
      %dma_start3A_388 = tpu.memref_slice %arg4[%mul3A_2, %dma_start3A_387] : memref<98304x32xf32, #tpu.memory_space<hbm>> -> memref<3072x32xf32, #tpu.memory_space<hbm>>
      tpu.enqueue_dma source(%arg6 : memref<3072x32xf32, #tpu.memory_space<vmem>>) target(%dma_start3A_388 : memref<3072x32xf32, #tpu.memory_space<hbm>>) target_semaphore(%run_scoped3A : memref<!tpu.dma_semaphore, #tpu.memory_space<semaphore_mem>>)
      %dma_wait3A_389 = arith.constant 0 : i32
      %dma_wait3A_390 = tpu.memref_slice %arg4[%mul3A_2, %dma_wait3A_389] : memref<98304x32xf32, #tpu.memory_space<hbm>> -> memref<3072x32xf32, #tpu.memory_space<hbm>>
      %dma_wait3A_391 = arith.constant 0 : i32
      %dma_wait3A_392 = tpu.memref_slice %arg4[%mul3A_2, %dma_wait3A_391] : memref<98304x32xf32, #tpu.memory_space<hbm>> -> memref<3072x32xf32, #tpu.memory_space<hbm>>
      tpu.wait_dma2 semaphore(%run_scoped3A : memref<!tpu.dma_semaphore, #tpu.memory_space<semaphore_mem>>) src(%arg6 : memref<3072x32xf32, #tpu.memory_space<vmem>>) dst(%dma_wait3A_392 : memref<3072x32xf32, #tpu.memory_space<hbm>>)
      tpu.yield
    }) : () -> ()
    return
  }
}

module attributes {stable_mosaic.version = 14 : i64} {
  func.func @_nn_kernel(%arg0: i32, %arg1: i32, %arg2: memref<1x1024x3xf32, #tpu.memory_space<vmem>>, %arg3: memref<1x3x2048xf32, #tpu.memory_space<vmem>>, %arg4: memref<1x1024x8xf32, #tpu.memory_space<vmem>>) attributes {dimension_semantics = [#tpu.dimension_semantics<arbitrary>, #tpu.dimension_semantics<arbitrary>], iteration_bounds = array<i64: 4, 8>, scalar_prefetch = 0 : i64, scratch_operands = 0 : i64, tpu.core_type = #tpu.core_type<tc>, window_params = [{transform_indices = @transform_0, window_bounds = array<i64: 1, 1024, 3>}, {transform_indices = @transform_1, window_bounds = array<i64: 1, 3, 2048>}, {transform_indices = @transform_2, window_bounds = array<i64: 1, 1024, 8>}]} {
    %get3A = arith.constant 0 : index
    %get3A_0 = arith.constant 0 : index
    %get3A_1 = arith.constant 0 : index
    %get3A_2 = vector.load %arg2[%get3A, %get3A_0, %get3A_1] : memref<1x1024x3xf32, #tpu.memory_space<vmem>>, vector<1x1024x3xf32>
    %get3A_3 = vector.shape_cast %get3A_2 : vector<1x1024x3xf32> to vector<1024x3xf32>
    %get3A_4 = arith.constant 0 : index
    %get3A_5 = arith.constant 0 : index
    %get3A_6 = arith.constant 0 : index
    %get3A_7 = vector.load %arg3[%get3A_4, %get3A_5, %get3A_6] : memref<1x3x2048xf32, #tpu.memory_space<vmem>>, vector<1x3x2048xf32>
    %get3A_8 = vector.shape_cast %get3A_7 : vector<1x3x2048xf32> to vector<3x2048xf32>
    %slice3A = vector.extract_strided_slice %get3A_3 {offsets = [0, 0], sizes = [1024, 1], strides = [1, 1]} : vector<1024x3xf32> to vector<1024x1xf32>
    %slice3A_9 = vector.extract_strided_slice %get3A_3 {offsets = [0, 1], sizes = [1024, 1], strides = [1, 1]} : vector<1024x3xf32> to vector<1024x1xf32>
    %slice3A_10 = vector.extract_strided_slice %get3A_3 {offsets = [0, 2], sizes = [1024, 1], strides = [1, 1]} : vector<1024x3xf32> to vector<1024x1xf32>
    %slice3A_11 = vector.extract_strided_slice %get3A_8 {offsets = [0, 0], sizes = [1, 2048], strides = [1, 1]} : vector<3x2048xf32> to vector<1x2048xf32>
    %slice3A_12 = vector.extract_strided_slice %get3A_8 {offsets = [1, 0], sizes = [1, 2048], strides = [1, 1]} : vector<3x2048xf32> to vector<1x2048xf32>
    %slice3A_13 = vector.extract_strided_slice %get3A_8 {offsets = [2, 0], sizes = [1, 2048], strides = [1, 1]} : vector<3x2048xf32> to vector<1x2048xf32>
    %dot_general3A = arith.constant dense<0.000000e+00> : vector<1024x2048xf32>
    %dot_general3A_14 = tpu.matmul %get3A_3, %get3A_8, %dot_general3A {dimension_numbers = #tpu.dot_dimension_numbers<[1], [0], [0], [1], [0, 0, 1, 1], [], []>, transpose_lhs_hint = false} : vector<1024x3xf32>, vector<3x2048xf32>, vector<1024x2048xf32> -> vector<1024x2048xf32>
    %mul3A = arith.mulf %slice3A, %slice3A : vector<1024x1xf32>
    %mul3A_15 = arith.mulf %slice3A_9, %slice3A_9 : vector<1024x1xf32>
    %add3A = arith.addf %mul3A, %mul3A_15 : vector<1024x1xf32>
    %mul3A_16 = arith.mulf %slice3A_10, %slice3A_10 : vector<1024x1xf32>
    %add3A_17 = arith.addf %add3A, %mul3A_16 : vector<1024x1xf32>
    %mul3A_18 = arith.mulf %slice3A_11, %slice3A_11 : vector<1x2048xf32>
    %mul3A_19 = arith.mulf %slice3A_12, %slice3A_12 : vector<1x2048xf32>
    %add3A_20 = arith.addf %mul3A_18, %mul3A_19 : vector<1x2048xf32>
    %mul3A_21 = arith.mulf %slice3A_13, %slice3A_13 : vector<1x2048xf32>
    %add3A_22 = arith.addf %add3A_20, %mul3A_21 : vector<1x2048xf32>
    %add3A_23 = vector.broadcast %add3A_17 : vector<1024x1xf32> to vector<1024x2048xf32>
    %add3A_24 = vector.broadcast %add3A_22 : vector<1x2048xf32> to vector<1024x2048xf32>
    %add3A_25 = arith.addf %add3A_23, %add3A_24 : vector<1024x2048xf32>
    %mul3A_26 = arith.constant 2.000000e+00 : f32
    %mul3A_27 = vector.broadcast %mul3A_26 : f32 to vector<1024x2048xf32>
    %mul3A_28 = arith.mulf %mul3A_27, %dot_general3A_14 : vector<1024x2048xf32>
    %sub3A = arith.subf %add3A_25, %mul3A_28 : vector<1024x2048xf32>
    %max3A = arith.constant 0.000000e+00 : f32
    %max3A_29 = vector.broadcast %max3A : f32 to vector<1024x2048xf32>
    %max3A_30 = arith.maximumf %sub3A, %max3A_29 : vector<1024x2048xf32>
    %sqrt3A = math.sqrt %max3A_30 : vector<1024x2048xf32>
    %iota3A = tpu.iota {dimensions = array<i32: 1>} : vector<1024x2048xi32>
    %convert_element_type3A = arith.sitofp %iota3A : vector<1024x2048xi32> to vector<1024x2048xf32>
    %reduce_min3A = arith.constant dense<0x7F800000> : vector<1024xf32>
    %reduce_min3A_31 = vector.multi_reduction <minimumf>, %sqrt3A, %reduce_min3A [1] : vector<1024x2048xf32> to vector<1024xf32>
    %broadcast_in_dim3A = vector.shape_cast %reduce_min3A_31 : vector<1024xf32> to vector<1024x1xf32>
    %eq3A = vector.broadcast %broadcast_in_dim3A : vector<1024x1xf32> to vector<1024x2048xf32>
    %eq3A_32 = arith.cmpf oeq, %sqrt3A, %eq3A : vector<1024x2048xf32>
    %jit3A = arith.constant 2.048000e+03 : f32
    %broadcast_in_dim3A_33 = vector.broadcast %jit3A : f32 to vector<1024x2048xf32>
    %select_n3A = arith.select %eq3A_32, %convert_element_type3A, %broadcast_in_dim3A_33 : vector<1024x2048xi1>, vector<1024x2048xf32>
    %reduce_min3A_34 = arith.constant dense<0x7F800000> : vector<1024xf32>
    %reduce_min3A_35 = vector.multi_reduction <minimumf>, %select_n3A, %reduce_min3A_34 [1] : vector<1024x2048xf32> to vector<1024xf32>
    %broadcast_in_dim3A_36 = vector.shape_cast %reduce_min3A_35 : vector<1024xf32> to vector<1024x1xf32>
    %max3A_37 = arith.constant 1.000000e-10 : f32
    %max3A_38 = vector.broadcast %max3A_37 : f32 to vector<1024x1xf32>
    %max3A_39 = arith.maximumf %broadcast_in_dim3A, %max3A_38 : vector<1024x1xf32>
    %div3A = arith.constant 1.000000e+00 : f32
    %div3A_40 = vector.broadcast %div3A : f32 to vector<1024x1xf32>
    %div3A_41 = arith.divf %div3A_40, %max3A_39 : vector<1024x1xf32>
    %eq3A_42 = vector.broadcast %broadcast_in_dim3A_36 : vector<1024x1xf32> to vector<1024x2048xf32>
    %eq3A_43 = arith.cmpf oeq, %select_n3A, %eq3A_42 : vector<1024x2048xf32>
    %jit3A_44 = arith.constant 3.000000e+38 : f32
    %broadcast_in_dim3A_45 = vector.broadcast %jit3A_44 : f32 to vector<1024x2048xf32>
    %select_n3A_46 = arith.select %eq3A_43, %broadcast_in_dim3A_45, %sqrt3A : vector<1024x2048xi1>, vector<1024x2048xf32>
    %reduce_min3A_47 = arith.constant dense<0x7F800000> : vector<1024xf32>
    %reduce_min3A_48 = vector.multi_reduction <minimumf>, %select_n3A_46, %reduce_min3A_47 [1] : vector<1024x2048xf32> to vector<1024xf32>
    %broadcast_in_dim3A_49 = vector.shape_cast %reduce_min3A_48 : vector<1024xf32> to vector<1024x1xf32>
    %eq3A_50 = vector.broadcast %broadcast_in_dim3A_49 : vector<1024x1xf32> to vector<1024x2048xf32>
    %eq3A_51 = arith.cmpf oeq, %select_n3A_46, %eq3A_50 : vector<1024x2048xf32>
    %jit3A_52 = arith.constant 2.048000e+03 : f32
    %broadcast_in_dim3A_53 = vector.broadcast %jit3A_52 : f32 to vector<1024x2048xf32>
    %select_n3A_54 = arith.select %eq3A_51, %convert_element_type3A, %broadcast_in_dim3A_53 : vector<1024x2048xi1>, vector<1024x2048xf32>
    %reduce_min3A_55 = arith.constant dense<0x7F800000> : vector<1024xf32>
    %reduce_min3A_56 = vector.multi_reduction <minimumf>, %select_n3A_54, %reduce_min3A_55 [1] : vector<1024x2048xf32> to vector<1024xf32>
    %broadcast_in_dim3A_57 = vector.shape_cast %reduce_min3A_56 : vector<1024xf32> to vector<1024x1xf32>
    %max3A_58 = arith.constant 1.000000e-10 : f32
    %max3A_59 = vector.broadcast %max3A_58 : f32 to vector<1024x1xf32>
    %max3A_60 = arith.maximumf %broadcast_in_dim3A_49, %max3A_59 : vector<1024x1xf32>
    %div3A_61 = arith.constant 1.000000e+00 : f32
    %div3A_62 = vector.broadcast %div3A_61 : f32 to vector<1024x1xf32>
    %div3A_63 = arith.divf %div3A_62, %max3A_60 : vector<1024x1xf32>
    %eq3A_64 = vector.broadcast %broadcast_in_dim3A_57 : vector<1024x1xf32> to vector<1024x2048xf32>
    %eq3A_65 = arith.cmpf oeq, %select_n3A_54, %eq3A_64 : vector<1024x2048xf32>
    %jit3A_66 = arith.constant 3.000000e+38 : f32
    %broadcast_in_dim3A_67 = vector.broadcast %jit3A_66 : f32 to vector<1024x2048xf32>
    %select_n3A_68 = arith.select %eq3A_65, %broadcast_in_dim3A_67, %select_n3A_46 : vector<1024x2048xi1>, vector<1024x2048xf32>
    %reduce_min3A_69 = arith.constant dense<0x7F800000> : vector<1024xf32>
    %reduce_min3A_70 = vector.multi_reduction <minimumf>, %select_n3A_68, %reduce_min3A_69 [1] : vector<1024x2048xf32> to vector<1024xf32>
    %broadcast_in_dim3A_71 = vector.shape_cast %reduce_min3A_70 : vector<1024xf32> to vector<1024x1xf32>
    %eq3A_72 = vector.broadcast %broadcast_in_dim3A_71 : vector<1024x1xf32> to vector<1024x2048xf32>
    %eq3A_73 = arith.cmpf oeq, %select_n3A_68, %eq3A_72 : vector<1024x2048xf32>
    %jit3A_74 = arith.constant 2.048000e+03 : f32
    %broadcast_in_dim3A_75 = vector.broadcast %jit3A_74 : f32 to vector<1024x2048xf32>
    %select_n3A_76 = arith.select %eq3A_73, %convert_element_type3A, %broadcast_in_dim3A_75 : vector<1024x2048xi1>, vector<1024x2048xf32>
    %reduce_min3A_77 = arith.constant dense<0x7F800000> : vector<1024xf32>
    %reduce_min3A_78 = vector.multi_reduction <minimumf>, %select_n3A_76, %reduce_min3A_77 [1] : vector<1024x2048xf32> to vector<1024xf32>
    %broadcast_in_dim3A_79 = vector.shape_cast %reduce_min3A_78 : vector<1024xf32> to vector<1024x1xf32>
    %max3A_80 = arith.constant 1.000000e-10 : f32
    %max3A_81 = vector.broadcast %max3A_80 : f32 to vector<1024x1xf32>
    %max3A_82 = arith.maximumf %broadcast_in_dim3A_71, %max3A_81 : vector<1024x1xf32>
    %div3A_83 = arith.constant 1.000000e+00 : f32
    %div3A_84 = vector.broadcast %div3A_83 : f32 to vector<1024x1xf32>
    %div3A_85 = arith.divf %div3A_84, %max3A_82 : vector<1024x1xf32>
    %add3A_86 = arith.addf %div3A_41, %div3A_63 : vector<1024x1xf32>
    %add3A_87 = arith.addf %add3A_86, %div3A_85 : vector<1024x1xf32>
    %div3A_88 = arith.divf %div3A_41, %add3A_87 : vector<1024x1xf32>
    %div3A_89 = arith.divf %div3A_63, %add3A_87 : vector<1024x1xf32>
    %div3A_90 = arith.divf %div3A_85, %add3A_87 : vector<1024x1xf32>
    %broadcast_in_dim3A_91 = arith.constant 0.000000e+00 : f32
    %broadcast_in_dim3A_92 = vector.broadcast %broadcast_in_dim3A_91 : f32 to vector<1024x2xf32>
    %concatenate3A = tpu.concatenate %broadcast_in_dim3A_36, %broadcast_in_dim3A_57, %broadcast_in_dim3A_79, %div3A_88, %div3A_89, %div3A_90, %broadcast_in_dim3A_92 in 1 : vector<1024x1xf32>, vector<1024x1xf32>, vector<1024x1xf32>, vector<1024x1xf32>, vector<1024x1xf32>, vector<1024x1xf32>, vector<1024x2xf32> -> vector<1024x8xf32>
    %swap3A = arith.constant 0 : index
    %swap3A_93 = arith.constant 0 : index
    %swap3A_94 = arith.constant 0 : index
    %swap3A_95 = vector.load %arg4[%swap3A, %swap3A_93, %swap3A_94] : memref<1x1024x8xf32, #tpu.memory_space<vmem>>, vector<1x1024x8xf32>
    %swap3A_96 = vector.shape_cast %swap3A_95 : vector<1x1024x8xf32> to vector<1024x8xf32>
    %swap3A_97 = vector.shape_cast %concatenate3A : vector<1024x8xf32> to vector<1x1024x8xf32>
    tpu.vector_store %arg4[%swap3A, %swap3A_93, %swap3A_94], %swap3A_97 {strides = array<i32>} : memref<1x1024x8xf32, #tpu.memory_space<vmem>>, vector<1x1024x8xf32>,
    return
  }
  func.func @transform_0(%arg0: i32, %arg1: i32) -> (i32, i32, i32) {
    %c0_i32 = arith.constant 0 : i32
    %c0_i32_0 = arith.constant 0 : i32
    return %arg0, %arg1, %c0_i32 : i32, i32, i32
  }
  func.func @transform_1(%arg0: i32, %arg1: i32) -> (i32, i32, i32) {
    %c0_i32 = arith.constant 0 : i32
    %c0_i32_0 = arith.constant 0 : i32
    %c0_i32_1 = arith.constant 0 : i32
    return %arg0, %c0_i32, %c0_i32_0 : i32, i32, i32
  }
  func.func @transform_2(%arg0: i32, %arg1: i32) -> (i32, i32, i32) {
    %c0_i32 = arith.constant 0 : i32
    %c0_i32_0 = arith.constant 0 : i32
    return %arg0, %arg1, %c0_i32 : i32, i32, i32
  }
}

module attributes {stable_mosaic.version = 14 : i64} {
  func.func @_mlp_kernel(%arg0: i32, %arg1: i32, %arg2: memref<1x1024x96xf32, #tpu.memory_space<vmem>>, %arg3: memref<1x1024x8xf32, #tpu.memory_space<vmem>>, %arg4: memref<1x1024x32xf32, #tpu.memory_space<vmem>>, %arg5: memref<32x64xf32, #tpu.memory_space<vmem>>, %arg6: memref<32x64xf32, #tpu.memory_space<vmem>>, %arg7: memref<1x64xf32, #tpu.memory_space<vmem>>, %arg8: memref<1x64xf32, #tpu.memory_space<vmem>>, %arg9: memref<1x64xf32, #tpu.memory_space<vmem>>, %arg10: memref<64x64xf32, #tpu.memory_space<vmem>>, %arg11: memref<1x64xf32, #tpu.memory_space<vmem>>, %arg12: memref<1x64xf32, #tpu.memory_space<vmem>>, %arg13: memref<1x64xf32, #tpu.memory_space<vmem>>, %arg14: memref<1x1024x64xf32, #tpu.memory_space<vmem>>) attributes {dimension_semantics = [#tpu.dimension_semantics<arbitrary>, #tpu.dimension_semantics<arbitrary>], iteration_bounds = array<i64: 4, 8>, scalar_prefetch = 0 : i64, scratch_operands = 0 : i64, tpu.core_type = #tpu.core_type<tc>, window_params = [{transform_indices = @transform_0, window_bounds = array<i64: 1, 1024, 96>}, {transform_indices = @transform_1, window_bounds = array<i64: 1, 1024, 8>}, {transform_indices = @transform_2, window_bounds = array<i64: 1, 1024, 32>}, {pipeline_mode = #tpu.pipeline_mode<synchronous>, transform_indices = @transform_3, window_bounds = array<i64: 32, 64>}, {pipeline_mode = #tpu.pipeline_mode<synchronous>, transform_indices = @transform_4, window_bounds = array<i64: 32, 64>}, {pipeline_mode = #tpu.pipeline_mode<synchronous>, transform_indices = @transform_5, window_bounds = array<i64: 1, 64>}, {pipeline_mode = #tpu.pipeline_mode<synchronous>, transform_indices = @transform_6, window_bounds = array<i64: 1, 64>}, {pipeline_mode = #tpu.pipeline_mode<synchronous>, transform_indices = @transform_7, window_bounds = array<i64: 1, 64>}, {pipeline_mode = #tpu.pipeline_mode<synchronous>, transform_indices = @transform_8, window_bounds = array<i64: 64, 64>}, {pipeline_mode = #tpu.pipeline_mode<synchronous>, transform_indices = @transform_9, window_bounds = array<i64: 1, 64>}, {pipeline_mode = #tpu.pipeline_mode<synchronous>, transform_indices = @transform_10, window_bounds = array<i64: 1, 64>}, {pipeline_mode = #tpu.pipeline_mode<synchronous>, transform_indices = @transform_11, window_bounds = array<i64: 1, 64>}, {transform_indices = @transform_12, window_bounds = array<i64: 1, 1024, 64>}]} {
    %get3A = arith.constant 0 : index
    %get3A_0 = arith.constant 0 : index
    %get3A_1 = arith.constant 0 : index
    %get3A_2 = vector.load %arg2[%get3A, %get3A_0, %get3A_1] : memref<1x1024x96xf32, #tpu.memory_space<vmem>>, vector<1x1024x96xf32>
    %get3A_3 = vector.shape_cast %get3A_2 : vector<1x1024x96xf32> to vector<1024x96xf32>
    %get3A_4 = arith.constant 0 : index
    %get3A_5 = arith.constant 0 : index
    %get3A_6 = arith.constant 0 : index
    %get3A_7 = vector.load %arg3[%get3A_4, %get3A_5, %get3A_6] : memref<1x1024x8xf32, #tpu.memory_space<vmem>>, vector<1x1024x8xf32>
    %get3A_8 = vector.shape_cast %get3A_7 : vector<1x1024x8xf32> to vector<1024x8xf32>
    %slice3A = vector.extract_strided_slice %get3A_8 {offsets = [0, 3], sizes = [1024, 1], strides = [1, 1]} : vector<1024x8xf32> to vector<1024x1xf32>
    %get3A_9 = arith.constant 0 : index
    %get3A_10 = arith.constant 0 : index
    %get3A_11 = arith.constant 0 : index
    %get3A_12 = vector.load %arg3[%get3A_9, %get3A_10, %get3A_11] : memref<1x1024x8xf32, #tpu.memory_space<vmem>>, vector<1x1024x8xf32>
    %get3A_13 = vector.shape_cast %get3A_12 : vector<1x1024x8xf32> to vector<1024x8xf32>
    %slice3A_14 = vector.extract_strided_slice %get3A_13 {offsets = [0, 4], sizes = [1024, 1], strides = [1, 1]} : vector<1024x8xf32> to vector<1024x1xf32>
    %get3A_15 = arith.constant 0 : index
    %get3A_16 = arith.constant 0 : index
    %get3A_17 = arith.constant 0 : index
    %get3A_18 = vector.load %arg3[%get3A_15, %get3A_16, %get3A_17] : memref<1x1024x8xf32, #tpu.memory_space<vmem>>, vector<1x1024x8xf32>
    %get3A_19 = vector.shape_cast %get3A_18 : vector<1x1024x8xf32> to vector<1024x8xf32>
    %slice3A_20 = vector.extract_strided_slice %get3A_19 {offsets = [0, 5], sizes = [1024, 1], strides = [1, 1]} : vector<1024x8xf32> to vector<1024x1xf32>
    %slice3A_21 = vector.extract_strided_slice %get3A_3 {offsets = [0, 0], sizes = [1024, 32], strides = [1, 1]} : vector<1024x96xf32> to vector<1024x32xf32>
    %mul3A = vector.broadcast %slice3A : vector<1024x1xf32> to vector<1024x32xf32>
    %mul3A_22 = arith.mulf %slice3A_21, %mul3A : vector<1024x32xf32>
    %slice3A_23 = vector.extract_strided_slice %get3A_3 {offsets = [0, 32], sizes = [1024, 32], strides = [1, 1]} : vector<1024x96xf32> to vector<1024x32xf32>
    %mul3A_24 = vector.broadcast %slice3A_14 : vector<1024x1xf32> to vector<1024x32xf32>
    %mul3A_25 = arith.mulf %slice3A_23, %mul3A_24 : vector<1024x32xf32>
    %add3A = arith.addf %mul3A_22, %mul3A_25 : vector<1024x32xf32>
    %slice3A_26 = vector.extract_strided_slice %get3A_3 {offsets = [0, 64], sizes = [1024, 32], strides = [1, 1]} : vector<1024x96xf32> to vector<1024x32xf32>
    %mul3A_27 = vector.broadcast %slice3A_20 : vector<1024x1xf32> to vector<1024x32xf32>
    %mul3A_28 = arith.mulf %slice3A_26, %mul3A_27 : vector<1024x32xf32>
    %add3A_29 = arith.addf %add3A, %mul3A_28 : vector<1024x32xf32>
    %sqrt3A = arith.constant 1.000010e+00 : f32
    %sqrt3A_30 = math.sqrt %sqrt3A : f32
    %div3A = arith.constant 1.000000e+00 : f32
    %div3A_31 = arith.divf %div3A, %sqrt3A_30 : f32
    %get3A_32 = arith.constant 0 : index
    %get3A_33 = arith.constant 0 : index
    %get3A_34 = vector.load %arg5[%get3A_32, %get3A_33] : memref<32x64xf32, #tpu.memory_space<vmem>>, vector<32x64xf32>
    %dot_general3A = arith.constant dense<0.000000e+00> : vector<1024x64xf32>
    %dot_general3A_35 = tpu.matmul %add3A_29, %get3A_34, %dot_general3A {dimension_numbers = #tpu.dot_dimension_numbers<[1], [0], [0], [1], [0, 0, 1, 1], [], []>, transpose_lhs_hint = false} : vector<1024x32xf32>, vector<32x64xf32>, vector<1024x64xf32> -> vector<1024x64xf32>
    %get3A_36 = arith.constant 0 : index
    %get3A_37 = arith.constant 0 : index
    %get3A_38 = arith.constant 0 : index
    %get3A_39 = vector.load %arg4[%get3A_36, %get3A_37, %get3A_38] : memref<1x1024x32xf32, #tpu.memory_space<vmem>>, vector<1x1024x32xf32>
    %get3A_40 = vector.shape_cast %get3A_39 : vector<1x1024x32xf32> to vector<1024x32xf32>
    %get3A_41 = arith.constant 0 : index
    %get3A_42 = arith.constant 0 : index
    %get3A_43 = vector.load %arg6[%get3A_41, %get3A_42] : memref<32x64xf32, #tpu.memory_space<vmem>>, vector<32x64xf32>
    %dot_general3A_44 = arith.constant dense<0.000000e+00> : vector<1024x64xf32>
    %dot_general3A_45 = tpu.matmul %get3A_40, %get3A_43, %dot_general3A_44 {dimension_numbers = #tpu.dot_dimension_numbers<[1], [0], [0], [1], [0, 0, 1, 1], [], []>, transpose_lhs_hint = false} : vector<1024x32xf32>, vector<32x64xf32>, vector<1024x64xf32> -> vector<1024x64xf32>
    %add3A_46 = arith.addf %dot_general3A_35, %dot_general3A_45 : vector<1024x64xf32>
    %get3A_47 = arith.constant 0 : index
    %get3A_48 = arith.constant 0 : index
    %get3A_49 = vector.load %arg7[%get3A_47, %get3A_48] : memref<1x64xf32, #tpu.memory_space<vmem>>, vector<1x64xf32>
    %get3A_50 = vector.shape_cast %get3A_49 : vector<1x64xf32> to vector<64xf32>
    %broadcast_in_dim3A = vector.shape_cast %get3A_50 : vector<64xf32> to vector<1x64xf32>
    %add3A_51 = vector.broadcast %broadcast_in_dim3A : vector<1x64xf32> to vector<1024x64xf32>
    %add3A_52 = arith.addf %add3A_46, %add3A_51 : vector<1024x64xf32>
    %get3A_53 = arith.constant 0 : index
    %get3A_54 = arith.constant 0 : index
    %get3A_55 = vector.load %arg8[%get3A_53, %get3A_54] : memref<1x64xf32, #tpu.memory_space<vmem>>, vector<1x64xf32>
    %get3A_56 = vector.shape_cast %get3A_55 : vector<1x64xf32> to vector<64xf32>
    %mul3A_57 = vector.broadcast %div3A_31 : f32 to vector<1024x64xf32>
    %mul3A_58 = arith.mulf %add3A_52, %mul3A_57 : vector<1024x64xf32>
    %broadcast_in_dim3A_59 = vector.shape_cast %get3A_56 : vector<64xf32> to vector<1x64xf32>
    %mul3A_60 = vector.broadcast %broadcast_in_dim3A_59 : vector<1x64xf32> to vector<1024x64xf32>
    %mul3A_61 = arith.mulf %mul3A_60, %mul3A_58 : vector<1024x64xf32>
    %get3A_62 = arith.constant 0 : index
    %get3A_63 = arith.constant 0 : index
    %get3A_64 = vector.load %arg9[%get3A_62, %get3A_63] : memref<1x64xf32, #tpu.memory_space<vmem>>, vector<1x64xf32>
    %get3A_65 = vector.shape_cast %get3A_64 : vector<1x64xf32> to vector<64xf32>
    %broadcast_in_dim3A_66 = vector.shape_cast %get3A_65 : vector<64xf32> to vector<1x64xf32>
    %add3A_67 = vector.broadcast %broadcast_in_dim3A_66 : vector<1x64xf32> to vector<1024x64xf32>
    %add3A_68 = arith.addf %mul3A_61, %add3A_67 : vector<1024x64xf32>
    %max3A = arith.constant 0.000000e+00 : f32
    %max3A_69 = vector.broadcast %max3A : f32 to vector<1024x64xf32>
    %max3A_70 = arith.maximumf %add3A_68, %max3A_69 : vector<1024x64xf32>
    %get3A_71 = arith.constant 0 : index
    %get3A_72 = arith.constant 0 : index
    %get3A_73 = vector.load %arg10[%get3A_71, %get3A_72] : memref<64x64xf32, #tpu.memory_space<vmem>>, vector<64x64xf32>
    %dot_general3A_74 = arith.constant dense<0.000000e+00> : vector<1024x64xf32>
    %dot_general3A_75 = tpu.matmul %max3A_70, %get3A_73, %dot_general3A_74 {dimension_numbers = #tpu.dot_dimension_numbers<[1], [0], [0], [1], [0, 0, 1, 1], [], []>, transpose_lhs_hint = false} : vector<1024x64xf32>, vector<64x64xf32>, vector<1024x64xf32> -> vector<1024x64xf32>
    %get3A_76 = arith.constant 0 : index
    %get3A_77 = arith.constant 0 : index
    %get3A_78 = vector.load %arg11[%get3A_76, %get3A_77] : memref<1x64xf32, #tpu.memory_space<vmem>>, vector<1x64xf32>
    %get3A_79 = vector.shape_cast %get3A_78 : vector<1x64xf32> to vector<64xf32>
    %broadcast_in_dim3A_80 = vector.shape_cast %get3A_79 : vector<64xf32> to vector<1x64xf32>
    %add3A_81 = vector.broadcast %broadcast_in_dim3A_80 : vector<1x64xf32> to vector<1024x64xf32>
    %add3A_82 = arith.addf %dot_general3A_75, %add3A_81 : vector<1024x64xf32>
    %get3A_83 = arith.constant 0 : index
    %get3A_84 = arith.constant 0 : index
    %get3A_85 = vector.load %arg12[%get3A_83, %get3A_84] : memref<1x64xf32, #tpu.memory_space<vmem>>, vector<1x64xf32>
    %get3A_86 = vector.shape_cast %get3A_85 : vector<1x64xf32> to vector<64xf32>
    %mul3A_87 = vector.broadcast %div3A_31 : f32 to vector<1024x64xf32>
    %mul3A_88 = arith.mulf %add3A_82, %mul3A_87 : vector<1024x64xf32>
    %broadcast_in_dim3A_89 = vector.shape_cast %get3A_86 : vector<64xf32> to vector<1x64xf32>
    %mul3A_90 = vector.broadcast %broadcast_in_dim3A_89 : vector<1x64xf32> to vector<1024x64xf32>
    %mul3A_91 = arith.mulf %mul3A_90, %mul3A_88 : vector<1024x64xf32>
    %get3A_92 = arith.constant 0 : index
    %get3A_93 = arith.constant 0 : index
    %get3A_94 = vector.load %arg13[%get3A_92, %get3A_93] : memref<1x64xf32, #tpu.memory_space<vmem>>, vector<1x64xf32>
    %get3A_95 = vector.shape_cast %get3A_94 : vector<1x64xf32> to vector<64xf32>
    %broadcast_in_dim3A_96 = vector.shape_cast %get3A_95 : vector<64xf32> to vector<1x64xf32>
    %add3A_97 = vector.broadcast %broadcast_in_dim3A_96 : vector<1x64xf32> to vector<1024x64xf32>
    %add3A_98 = arith.addf %mul3A_91, %add3A_97 : vector<1024x64xf32>
    %max3A_99 = arith.constant 0.000000e+00 : f32
    %max3A_100 = vector.broadcast %max3A_99 : f32 to vector<1024x64xf32>
    %max3A_101 = arith.maximumf %add3A_98, %max3A_100 : vector<1024x64xf32>
    %swap3A = arith.constant 0 : index
    %swap3A_102 = arith.constant 0 : index
    %swap3A_103 = arith.constant 0 : index
    %swap3A_104 = vector.load %arg14[%swap3A, %swap3A_102, %swap3A_103] : memref<1x1024x64xf32, #tpu.memory_space<vmem>>, vector<1x1024x64xf32>
    %swap3A_105 = vector.shape_cast %swap3A_104 : vector<1x1024x64xf32> to vector<1024x64xf32>
    %swap3A_106 = vector.shape_cast %max3A_101 : vector<1024x64xf32> to vector<1x1024x64xf32>
    tpu.vector_store %arg14[%swap3A, %swap3A_102, %swap3A_103], %swap3A_106 {strides = array<i32>} : memref<1x1024x64xf32, #tpu.memory_space<vmem>>, vector<1x1024x64xf32>,
    return
  }
  func.func @transform_0(%arg0: i32, %arg1: i32) -> (i32, i32, i32) {
    %c0_i32 = arith.constant 0 : i32
    %c0_i32_0 = arith.constant 0 : i32
    return %arg0, %arg1, %c0_i32 : i32, i32, i32
  }
  func.func @transform_1(%arg0: i32, %arg1: i32) -> (i32, i32, i32) {
    %c0_i32 = arith.constant 0 : i32
    %c0_i32_0 = arith.constant 0 : i32
    return %arg0, %arg1, %c0_i32 : i32, i32, i32
  }
  func.func @transform_2(%arg0: i32, %arg1: i32) -> (i32, i32, i32) {
    %c0_i32 = arith.constant 0 : i32
    %c0_i32_0 = arith.constant 0 : i32
    return %arg0, %arg1, %c0_i32 : i32, i32, i32
  }
  func.func @transform_3(%arg0: i32, %arg1: i32) -> (i32, i32) {
    %c0_i32 = arith.constant 0 : i32
    %c0_i32_0 = arith.constant 0 : i32
    %c0_i32_1 = arith.constant 0 : i32
    return %c0_i32, %c0_i32_0 : i32, i32
  }
  func.func @transform_4(%arg0: i32, %arg1: i32) -> (i32, i32) {
    %c0_i32 = arith.constant 0 : i32
    %c0_i32_0 = arith.constant 0 : i32
    %c0_i32_1 = arith.constant 0 : i32
    return %c0_i32, %c0_i32_0 : i32, i32
  }
  func.func @transform_5(%arg0: i32, %arg1: i32) -> (i32, i32) {
    %c0_i32 = arith.constant 0 : i32
    %c0_i32_0 = arith.constant 0 : i32
    %c0_i32_1 = arith.constant 0 : i32
    return %c0_i32, %c0_i32_0 : i32, i32
  }
  func.func @transform_6(%arg0: i32, %arg1: i32) -> (i32, i32) {
    %c0_i32 = arith.constant 0 : i32
    %c0_i32_0 = arith.constant 0 : i32
    %c0_i32_1 = arith.constant 0 : i32
    return %c0_i32, %c0_i32_0 : i32, i32
  }
  func.func @transform_7(%arg0: i32, %arg1: i32) -> (i32, i32) {
    %c0_i32 = arith.constant 0 : i32
    %c0_i32_0 = arith.constant 0 : i32
    %c0_i32_1 = arith.constant 0 : i32
    return %c0_i32, %c0_i32_0 : i32, i32
  }
  func.func @transform_8(%arg0: i32, %arg1: i32) -> (i32, i32) {
    %c0_i32 = arith.constant 0 : i32
    %c0_i32_0 = arith.constant 0 : i32
    %c0_i32_1 = arith.constant 0 : i32
    return %c0_i32, %c0_i32_0 : i32, i32
  }
  func.func @transform_9(%arg0: i32, %arg1: i32) -> (i32, i32) {
    %c0_i32 = arith.constant 0 : i32
    %c0_i32_0 = arith.constant 0 : i32
    %c0_i32_1 = arith.constant 0 : i32
    return %c0_i32, %c0_i32_0 : i32, i32
  }
  func.func @transform_10(%arg0: i32, %arg1: i32) -> (i32, i32) {
    %c0_i32 = arith.constant 0 : i32
    %c0_i32_0 = arith.constant 0 : i32
    %c0_i32_1 = arith.constant 0 : i32
    return %c0_i32, %c0_i32_0 : i32, i32
  }
  func.func @transform_11(%arg0: i32, %arg1: i32) -> (i32, i32) {
    %c0_i32 = arith.constant 0 : i32
    %c0_i32_0 = arith.constant 0 : i32
    %c0_i32_1 = arith.constant 0 : i32
    return %c0_i32, %c0_i32_0 : i32, i32
  }
  func.func @transform_12(%arg0: i32, %arg1: i32) -> (i32, i32, i32) {
    %c0_i32 = arith.constant 0 : i32
    %c0_i32_0 = arith.constant 0 : i32
    return %arg0, %arg1, %c0_i32 : i32, i32, i32
  }
}

</mosaic_0001>

<sc_bundles>
// kernel: kernel.5.cloned.1.call-start
scs
__scs_entry_jumppad:
0x0: {  	(pc) =	sbr.rel $0x88, $3  }
0x1: {  	(tag) =	ssettag $0x0;
	lr =	simm.s32 $0x1  }
0x2: {  	[smem:$0x3F95] =	sst lr;
	_ =	strace $0xD0000000  }
0x3: {  	_ = 	snop  }
0x4: {  	_ = 	snop  }
0x5: {  	_ = 	snop  }
0x6: {  	_ = 	snop  }
0x7: {  	_ = 	snop  }
__scs_overlays_trampoline_lowered:
0x8: {  	[smem:$0x3FA4] =	sst s0  }
0x9: {  	[smem:$0x3FA5] =	sst s1  }
0xa: {  	[smem:$0x3FA6] =	sst s2  }
0xb: {  	[smem:$0x3FA7] =	sst s3  }
0xc: {  	[smem:$0x3FA8] =	sst s4  }
0xd: {  	[smem:$0x3FA9] =	sst s5  }
0xe: {  	[smem:$0x3FAA] =	sst s6  }
0xf: {  	[smem:$0x3FAB] =	sst s7  }
0x10: {  	[smem:$0x3FAC] =	sst s8  }
0x11: {  	[smem:$0x3FAD] =	sst s9;
	s0 =	simm.s32 @!p0 $0x0  }
0x12: {  	s1 =	sld [smem:$0x3F93];
	s0 =	simm.s32 @p0 $0x1  }
0x13: {  	[smem:$0x3FAE] =	sst s0;
	s0 =	simm.s32 @!p1 $0x0  }
0x14: {  	s2 =	sld [smem:$0x3F92];
	s0 =	simm.s32 @p1 $0x1  }
0x15: {  	[smem:$0x3FAF] =	sst s0;
	s0 =	simm.s32 @!p2 $0x0  }
0x16: {  	s3 =	sld [smem:$0x3FDB];
	s0 =	simm.s32 @p2 $0x1  }
0x17: {  	s4 =	simm.s32 $0x1BF5;
	[smem:$0x3FB1] =	sst s0  }
0x18: {  	s0 =	sld [smem:$0x3F94];
	_ =	swait.ge [sflag:s4], $0x0  }
0x19: {  	s7 =	sld [smem:$0x3F95]  }
0x1a: {  	s8 =	sadd.s32 $0xFFFFE003, lr  }
0x1b: {  	s9 =	sadd.s32 $0xFFFFFEF7, lr;
	s5 =	simm.s32 $0xFFFFFFFF;
	p2 =	slt.u32 s8, $0xFFFFF086  }
0x1c: {  	p1 =	slt.u32 s9, $0xF7A;
	s5 =	simm.s32 @!p2 $0x0  }
0x1d: {  	s5 =	simm.s32 @p1 $0x1;
	p0 =	seq.s32 s7, s2  }
0x1e: {  	s7 =	smul.u32 @!p0 $0xF7A, s2;
	p2 =	seq.s32 @!p0 s5, $0x0  }
0x1f: {  	s9 =	smul.u32 $0xF7A, s1;
	s8 =	simm.s32 @!p0 $0x1BF5;
	p2 =	por !p2, p0  }
0x20: {  	[sflag:s8] =	ssyncset.s32 @!p0 $0xFFFFF086;
	s6 =	sadd.s32 @!p0 s3, s7;
	s7 =	simm.s32 @!p0 $0x108  }
0x21: {  	s3 =	sadd.s32 s3, s9;
	s6 =	sadd.s32 @!p0 $0x88, s6;
	s7 =	simm.s32 @p2 $0x1082  }
0x22: {  	[simem:s7], [sflag:s8] =	dma.local @!p0 [hbm:s6], $0xF7A  }
0x23: {  	s9 =	sor.u32 $0xD0000000, s2;
	s6 =	simm.s32 $0x108;
	_ =	swait.ge @!p0 [sflag:s8], $0x0  }
0x24: {  	s3 =	sadd.s32 $0x88, s3;
	s6 =	simm.s32 @!p1 $0x1082;
	[sflag:s4] =	ssyncset.s32 $0xFFFFF086  }
0x25: {  	[simem:s6], [sflag:s4] =	dma.local [hbm:s3], $0xF7A  }
0x26: {  	[smem:$0x3F95] =	sst s1;
	(tag) =	ssettag s2;
	_ =	strace s9  }
0x27: {  	s1 =	sld [smem:$0x3FA5]  }
0x28: {  	s2 =	sld [smem:$0x3FA6]  }
0x29: {  	s4 =	sld [smem:$0x3FA8]  }
0x2a: {  	p0 =	seq.s32 s5, $0x0;
	s5 =	sld [smem:$0x3FA9]  }
0x2b: {  	s6 =	sld [smem:$0x3FAA]  }
0x2c: {  	s7 =	sld [smem:$0x3FAB]  }
0x2d: {  	s3 =	simm.s32 $0x108;
	s8 =	sld [smem:$0x3FAC]  }
0x2e: {  	s3 =	simm.s32 @!p0 $0x1082;
	s9 =	sld [smem:$0x3FAD]  }
0x2f: {  	lr =	sadd.s32 s0, s3;
	s0 =	sld [smem:$0x3FA4]  }
0x30: {  	s3 =	sld [smem:$0x3FA7]  }
0x31: {  	[smem:$0x3FB0] =	sst s10  }
0x32: {  	s10 =	sld [smem:$0x3FAE];
	_ =	sdelay $0x3  }
0x33: {  	p0 =	seq.s32 s10, $0x1;
	s10 =	sld [smem:$0x3FB0];
	_ =	sdelay $0x3  }
0x34: {  	[smem:$0x3FB0] =	sst s10  }
0x35: {  	s10 =	sld [smem:$0x3FAF];
	_ =	sdelay $0x3  }
0x36: {  	p1 =	seq.s32 s10, $0x1;
	s10 =	sld [smem:$0x3FB0];
	_ =	sdelay $0x3  }
0x37: {  	[smem:$0x3FB0] =	sst s10  }
0x38: {  	s10 =	sld [smem:$0x3FB1]  }
0x39: {  	_ = 	snop;
	(pc) =	sbr.ind lr, $3  }
0x3a: {  	_ = 	snop  }
0x3b: {  	_ = 	snop  }
0x3c: {  	p2 =	seq.s32 s10, $0x1;
	s10 =	sld [smem:$0x3FB0]  }
0x3d: {  	_ =	shalt  }
0x3e: {  	_ =	shalt  }
0x3f: {  	_ =	shalt  }
0x40: {  	_ =	shalt  }
0x41: {  	_ =	shalt  }
0x42: {  	_ =	shalt  }
0x43: {  	_ =	shalt  }
0x44: {  	_ =	shalt  }
0x45: {  	_ =	shalt  }
0x46: {  	_ =	shalt  }
0x47: {  	_ =	shalt  }
0x48: {  	_ =	shalt  }
0x49: {  	_ =	shalt  }
0x4a: {  	_ =	shalt  }
0x4b: {  	_ =	shalt  }
0x4c: {  	_ =	shalt  }
0x4d: {  	_ =	shalt  }
0x4e: {  	_ =	shalt  }
0x4f: {  	_ =	shalt  }
0x50: {  	_ =	shalt  }
0x51: {  	_ =	shalt  }
0x52: {  	_ =	shalt  }
0x53: {  	_ =	shalt  }
0x54: {  	_ =	shalt  }
0x55: {  	_ =	shalt  }
0x56: {  	_ =	shalt  }
0x57: {  	_ =	shalt  }
0x58: {  	_ =	shalt  }
0x59: {  	_ =	shalt  }
0x5a: {  	_ =	shalt  }
0x5b: {  	_ =	shalt  }
0x5c: {  	_ =	shalt  }
0x5d: {  	_ =	shalt  }
0x5e: {  	_ =	shalt  }
0x5f: {  	_ =	shalt  }
0x60: {  	_ =	shalt  }
0x61: {  	_ =	shalt  }
0x62: {  	_ =	shalt  }
0x63: {  	_ =	shalt  }
0x64: {  	_ =	shalt  }
0x65: {  	_ =	shalt  }
0x66: {  	_ =	shalt  }
0x67: {  	_ =	shalt  }
0x68: {  	_ =	shalt  }
0x69: {  	_ =	shalt  }
0x6a: {  	_ =	shalt  }
0x6b: {  	_ =	shalt  }
0x6c: {  	_ =	shalt  }
0x6d: {  	_ =	shalt  }
0x6e: {  	_ =	shalt  }
0x6f: {  	_ =	shalt  }
0x70: {  	_ =	shalt  }
0x71: {  	_ =	shalt  }
0x72: {  	_ =	shalt  }
0x73: {  	_ =	shalt  }
0x74: {  	_ =	shalt  }
0x75: {  	_ =	shalt  }
0x76: {  	_ =	shalt  }
0x77: {  	_ =	shalt  }
0x78: {  	_ =	shalt  }
0x79: {  	_ =	shalt  }
0x7a: {  	_ =	shalt  }
0x7b: {  	_ =	shalt  }
0x7c: {  	_ =	shalt  }
0x7d: {  	_ =	shalt  }
0x7e: {  	_ =	shalt  }
0x7f: {  	_ =	shalt  }
0x80: {  	_ =	shalt  }
0x81: {  	_ =	shalt  }
0x82: {  	_ =	shalt  }
0x83: {  	_ =	shalt  }
0x84: {  	_ =	shalt  }
0x85: {  	_ =	shalt  }
0x86: {  	_ =	shalt  }
0x87: {  	_ =	shalt  }
.Lfunc_end0:
.L_simem_size_0:
called_computation_lowered:
.L_overlay_start_0:
0x88: {  	s2 =	sld [smem:$0x3FD9]  }
0x89: {  	s3 =	sld [smem:$0x3FFE];
	_ =	sdelay $0x1  }
0x8a: {  	s1 =	srdreg.scid  }
0x8b: {  	s0 =	sand.u32 $0x1, s1  }
0x8c: {  	s17 =	sshll.u32 s0, $0xA;
	s2 =	sadd.s32 s3, s2  }
0x8d: {  	s2 =	sadd.s32 s2, s17  }
0x8e: {  	[smem:$0x3FBC] =	sst s2  }
0x8f: {  	_ = 	snop  }
0x90: {  	s2 =	sld [smem:$0x3FD0];
	(tm) =	ssettm $0x1  }
0x91: {  	s18 =	sld [smem:$0x3FFB];
	_ =	sdelay $0x3  }
0x92: {  	_ =	strace s18  }
0x93: {  	s3 =	sld [smem:$0x3FFC];
	_ =	sdelay $0x3  }
0x94: {  	_ =	strace s3  }
0x95: {  	s3 =	sld [smem:$0x3FFD];
	_ =	sdelay $0x3  }
0x96: {  	_ =	strace s3  }
0x97: {  	_ =	strace $0x8FFFFFFF  }
0x98: {  	s19 =	sld [smem:$0x3FDB];
	_ =	sdelay $0x1  }
0x99: {  	s4 =	simm.s32 $_scs_section_size  }
0x9a: {  	s5 =	simm.s32 $_size__tile_overlayer_lowered;
	s6 =	simm.s32 $_tile_overlayer_lowered  }
0x9b: {  	s22 =	simm.s32 $0x1BFF;
	s21 =	sshll.u32 s6, $0x1;
	s3 =	sadd.s32 s4, s19  }
0x9c: {  	s7 =	simm.s32 $0x0;
	s20 =	sshll.u32 s5, $0x1;
	s5 =	sadd.s32 s21, s3  }
0x9d: {  	[timem:s7], [sflag:s22] =	dma.local [hbm:s5], s20  }
0x9e: {  	_ =	swait.ge [sflag:s22], s20  }
0x9f: {  	s4 =	ssub.s32 $0x0, s20;
	[sflag:s22] =	ssyncset.done $0x0  }
0xa0: {  	[sflag:s22] =	ssyncadd.s32 s4;
	_ =	sdelay $0x1  }
0xa1: {  	s23 =	simm.s32 $0x1B8B  }
0xa2: {  	_ =	swait.ge [sflag:s23], $0x1  }
0xa3: {  	[sflag:s23] =	ssyncset.done $0x0  }
0xa4: {  	s25 =	simm.s32 $0x1B8E;
	s24 =	sld [smem:$0x3FFE];
	[sflag:s23] =	ssyncadd.s32 $0xFFFFFFFF  }
0xa5: {  	s26 =	simm.s32 $execute0_lowered;
	[smem:$0x3FD2] =	sst s25  }
0xa6: {  	s5 =	sshll.u32 s26, $0x1;
	_ =	strace $0x80000046;
	[dreg:$0x1] =	wrdreg $0xFFFFFFFF  }
0xa7: {  	s28 =	simm.s32 $_size_execute0_lowered;
	s3 =	sadd.s32 s3, s5;
	[dreg:$0x0] =	wrdreg $0x0  }
0xa8: {  	s5 =	sshll.u32 s28, $0x1;
	[dreg:$0x2] =	wrdreg s3  }
0xa9: {  	[dreg:$0x3] =	wrdreg s5  }
0xaa: {  	[dreg:$0x4] =	wrdreg $0xC0  }
0xab: {  	_ =	task [dreg:s7], $0x5FFFF  }
0xac: {  	[dreg:$0x1] =	wrdreg $0xFFFFFFFF  }
0xad: {  	[dreg:$0x0] =	wrdreg $0x60  }
0xae: {  	[dreg:$0x2] =	wrdreg s2  }
0xaf: {  	[dreg:$0x3] =	wrdreg s24  }
0xb0: {  	[dreg:$0x4] =	wrdreg $0x9  }
0xb1: {  	_ =	task.clear_ibuf [dreg:s7], $0x5FFFF;
	_ =	strace $0x90000046  }
0xb2: {  	s29 =	simm.s32 $0x9;
	_ =	strace $0x80000048  }
0xb3: {  	_ =	swait.ge [sflag:s29], $0x1  }
0xb4: {  	[sflag:s29] =	ssyncadd.s32 $0xFFFFFFFF  }
0xb5: {  	_ =	strace $0x90000048  }
0xb6: {  	_ =	sfence  }
0xb7: {  	s30 =	sld [smem:$0x0];
	_ =	sdelay $0x2  }
0xb8: {  	s31 =	sshll.u32 s1, $0xD;
	s1 =	sshrl.u32 s1, $0x2  }
0xb9: {  	s3 =	sand.u32 $0x4000, s31;
	s1 =	sadd.s32 s1, s30  }
0xba: {  	s0 =	sor.u32 s3, s0;
	s1 =	sshll.u32 s1, $0x11  }
0xbb: {  	s0 =	sor.u32 s1, s0  }
0xbc: {  	s0 =	sadd.s32 $0x8F2B, s0  }
0xbd: {  	[sflag:s0] =	ssyncadd.remote.s32 $0x1  }
0xbe: {  	_ =	sfence.sel $0xFFFF  }
0xbf: {  	[dreg:$0x0] =	wrdreg $0xFFFFFFFF;
	(pc) =	sbr.abs _section_cstart, $3  }
0xc0: {  	[dreg:$0x1] =	wrdreg $0xFFFFFFFF  }
0xc1: {  	_ =	task.clear_ibuf [dreg:s7], $0x2FFFF;
	_ =	strace $0x9FFFFFFF  }
0xc2: {  	(tm) =	ssettm $0x7FFFFFFF  }
0xc3: {  	_ =	shalt  }
tec
execute0_lowered:
.L_overlay_start_1:
0x0: {  	(tag) =	ssettag $0x1  }
0x1: {  	s2 =	stileid.u32;
	s3 =	rddreg [dreg:$0x0]  }
0x2: {  	s4 =	rddreg [dreg:$0x1];
	s24 =	sshll.u32 s2, $0x1;
	s2 =	simm.s32 $0x0  }
0x3: {  	s26 =	simm.s32 $0x1C00;
	[smem:$0x7FF] =	sst s2  }
0x4: {  	s6 =	simm.s32 $0x180;
	_ =	strace $0x80000047;
	[dreg:$0x5] =	wrdreg s26  }
0x5: {  	s7 =	simm.s32 $0x3C00;
	[dreg:$0x8] =	wrdreg s6  }
0x6: {  	s8 =	simm.s32 $0x200;
	[dreg:$0x9] =	wrdreg s7  }
0x7: {  	s9 =	simm.s32 $0x4C00;
	[dreg:$0xa] =	wrdreg s8  }
0x8: {  	s10 =	simm.s32 $0x280;
	[dreg:$0xb] =	wrdreg s9  }
0x9: {  	s11 =	simm.s32 $0x5C00;
	[dreg:$0xc] =	wrdreg s10  }
0xa: {  	s12 =	simm.s32 $0x300;
	[dreg:$0xd] =	wrdreg s11  }
0xb: {  	s13 =	simm.s32 $0x6C00;
	[dreg:$0xe] =	wrdreg s12  }
0xc: {  	s14 =	simm.s32 $0x380;
	[dreg:$0xf] =	wrdreg s13  }
0xd: {  	s15 =	simm.s32 $0x7C00;
	[dreg:$0x10] =	wrdreg s14  }
0xe: {  	s16 =	simm.s32 $0x400;
	[dreg:$0x11] =	wrdreg s15  }
0xf: {  	s17 =	simm.s32 $0x8C00;
	[dreg:$0x12] =	wrdreg s16  }
0x10: {  	s18 =	simm.s32 $0x480;
	[dreg:$0x13] =	wrdreg s17  }
0x11: {  	s0 =	srdreg.scid;
	s19 =	simm.s32 $0x9C00;
	[dreg:$0x14] =	wrdreg s18  }
0x12: {  	s20 =	simm.s32 $0x500;
	s1 =	sand.u32 $0x1, s0;
	[dreg:$0x15] =	wrdreg s19  }
0x13: {  	s21 =	simm.s32 $0xAC00;
	s0 =	sor.u32 s1, s24;
	[dreg:$0x16] =	wrdreg s20  }
0x14: {  	s22 =	simm.s32 $0x580;
	s5 =	smul.u32 $0x180, s0;
	[dreg:$0x17] =	wrdreg s21  }
0x15: {  	s23 =	simm.s32 $0xBC00;
	s0 =	smul.u32 $0x3000, s0;
	[dreg:$0x18] =	wrdreg s22  }
0x16: {  	[dreg:$0x19] =	wrdreg s23  }
0x17: {  	s5 =	sadd.s32 s5, s4;
	s0 =	sadd.s32 s0, s4;
	s4 =	simm.s32 $0x100  }
0x18: {  	s25 =	sadd.s32 $0x101A00, s5;
	[dreg:$0x6] =	wrdreg s4  }
0x19: {  	s0 =	sadd.s32 $0x81A00, s0;
	[dreg:$0x3] =	wrdreg s25  }
0x1a: {  	s5 =	simm.s32 $0x2C00;
	[dreg:$0x4] =	wrdreg s0  }
0x1b: {  	[dreg:$0x7] =	wrdreg s5  }
0x1c: {  	s25 =	simm.s32 $0x600;
	s24 =	rddreg [dreg:$0x3]  }
0x1d: {  	s4 =	simm.s32 $0x2;
	[dreg:$0x1a] =	wrdreg s25  }
0x1e: {  	[tilespmem:s2], [sflag:$0x2] =	stream.linear.gather [hbm4b:s24+s2], $0xC00, $0x38;
	[tilespmem:$0x18C00] =	vst v63  }
0x1f: {  	_ =	swait.ge [sflag:s4], $0xC00  }
0x20: {  	s0 =	rddreg [dreg:$0x19]  }
0x21: {  	s7 =	rddreg [dreg:$0x17]  }
0x22: {  	s8 =	rddreg [dreg:$0x15]  }
0x23: {  	s9 =	rddreg [dreg:$0x13]  }
0x24: {  	s10 =	rddreg [dreg:$0x11]  }
0x25: {  	s11 =	rddreg [dreg:$0xf]  }
0x26: {  	s12 =	rddreg [dreg:$0xd]  }
0x27: {  	s13 =	rddreg [dreg:$0xb]  }
0x28: {  	s6 =	simm.s32 $0x80;
	s14 =	rddreg [dreg:$0x6];
	[sflag:s4] =	ssyncset.done $0x0  }
0x29: {  	s5 =	simm.s32 $0xC00;
	s15 =	rddreg [dreg:$0x5];
	[sflag:s4] =	ssyncadd.s32 $0xFFFFF400  }
0x2a: {  	[tilespmem:s5], [sflag:$0x1] =	stream.indirect.gather [hbm4b:s3+s6], $0x20, s2, s6, $0xb8;
	[tilespmem:$0x18C00] =	vst v63  }
0x2b: {  	s16 =	rddreg [dreg:$0x7]  }
0x2c: {  	[tilespmem:s15], [sflag:$0x1] =	stream.indirect.gather [hbm4b:s3+s6], $0x20, s6, s6, $0xb8;
	[tilespmem:$0x18C00] =	vst v63  }
0x2d: {  	s17 =	rddreg [dreg:$0x9]  }
0x2e: {  	[tilespmem:s16], [sflag:$0x1] =	stream.indirect.gather [hbm4b:s3+s6], $0x20, s14, s6, $0xb8;
	[tilespmem:$0x18C00] =	vst v63  }
0x2f: {  	s26 =	rddreg [dreg:$0x8]  }
0x30: {  	[tilespmem:s17], [sflag:$0x1] =	stream.indirect.gather [hbm4b:s3+s6], $0x20, s26, s6, $0xb8;
	[tilespmem:$0x18C00] =	vst v63  }
0x31: {  	s16 =	rddreg [dreg:$0xa]  }
0x32: {  	[tilespmem:s13], [sflag:$0x1] =	stream.indirect.gather [hbm4b:s3+s6], $0x20, s16, s6, $0xb8;
	[tilespmem:$0x18C00] =	vst v63  }
0x33: {  	s18 =	rddreg [dreg:$0xc]  }
0x34: {  	[tilespmem:s12], [sflag:$0x1] =	stream.indirect.gather [hbm4b:s3+s6], $0x20, s18, s6, $0xb8;
	[tilespmem:$0x18C00] =	vst v63  }
0x35: {  	s19 =	rddreg [dreg:$0xe]  }
0x36: {  	[tilespmem:s11], [sflag:$0x1] =	stream.indirect.gather [hbm4b:s3+s6], $0x20, s19, s6, $0xb8;
	[tilespmem:$0x18C00] =	vst v63  }
0x37: {  	s20 =	rddreg [dreg:$0x10]  }
0x38: {  	[tilespmem:s10], [sflag:$0x1] =	stream.indirect.gather [hbm4b:s3+s6], $0x20, s20, s6, $0xb8;
	[tilespmem:$0x18C00] =	vst v63  }
0x39: {  	s21 =	rddreg [dreg:$0x12]  }
0x3a: {  	[tilespmem:s9], [sflag:$0x1] =	stream.indirect.gather [hbm4b:s3+s6], $0x20, s21, s6, $0xb8;
	[tilespmem:$0x18C00] =	vst v63  }
0x3b: {  	s22 =	rddreg [dreg:$0x14]  }
0x3c: {  	[tilespmem:s8], [sflag:$0x1] =	stream.indirect.gather [hbm4b:s3+s6], $0x20, s22, s6, $0xb8;
	[tilespmem:$0x18C00] =	vst v63  }
0x3d: {  	s23 =	rddreg [dreg:$0x16]  }
0x3e: {  	[tilespmem:s7], [sflag:$0x1] =	stream.indirect.gather [hbm4b:s3+s6], $0x20, s23, s6, $0xb8;
	[tilespmem:$0x18C00] =	vst v63  }
0x3f: {  	s24 =	rddreg [dreg:$0x18]  }
0x40: {  	[tilespmem:s0], [sflag:$0x1] =	stream.indirect.gather [hbm4b:s3+s6], $0x20, s24, s6, $0xb8;
	[tilespmem:$0x18C00] =	vst v63  }
0x41: {  	s25 =	rddreg [dreg:$0x1a];
	s26 =	simm.s32 $0xCC00  }
0x42: {  	[tilespmem:s26], [sflag:$0x1] =	stream.indirect.gather [hbm4b:s3+s6], $0x20, s25, s6, $0xb8;
	[tilespmem:$0x18C00] =	vst v63  }
0x43: {  	s8 =	simm.s32 $0xDC00;
	s7 =	simm.s32 $0x680  }
0x44: {  	[tilespmem:s8], [sflag:$0x1] =	stream.indirect.gather [hbm4b:s3+s6], $0x20, s7, s6, $0xb8;
	[tilespmem:$0x18C00] =	vst v63  }
0x45: {  	s10 =	simm.s32 $0xEC00;
	s9 =	simm.s32 $0x700  }
0x46: {  	[tilespmem:s10], [sflag:$0x1] =	stream.indirect.gather [hbm4b:s3+s6], $0x20, s9, s6, $0xb8;
	[tilespmem:$0x18C00] =	vst v63  }
0x47: {  	s12 =	simm.s32 $0xFC00;
	s11 =	simm.s32 $0x780  }
0x48: {  	[tilespmem:s12], [sflag:$0x1] =	stream.indirect.gather [hbm4b:s3+s6], $0x20, s11, s6, $0xb8;
	[tilespmem:$0x18C00] =	vst v63  }
0x49: {  	s14 =	simm.s32 $0x10C00;
	s13 =	simm.s32 $0x800  }
0x4a: {  	[tilespmem:s14], [sflag:$0x1] =	stream.indirect.gather [hbm4b:s3+s6], $0x20, s13, s6, $0xb8;
	[tilespmem:$0x18C00] =	vst v63  }
0x4b: {  	s15 =	simm.s32 $0x880;
	s16 =	simm.s32 $0x11C00  }
0x4c: {  	[tilespmem:s16], [sflag:$0x1] =	stream.indirect.gather [hbm4b:s3+s6], $0x20, s15, s6, $0xb8;
	[tilespmem:$0x18C00] =	vst v63  }
0x4d: {  	s18 =	simm.s32 $0x900;
	s19 =	simm.s32 $0x12C00  }
0x4e: {  	[tilespmem:s19], [sflag:$0x1] =	stream.indirect.gather [hbm4b:s3+s6], $0x20, s18, s6, $0xb8;
	[tilespmem:$0x18C00] =	vst v63  }
0x4f: {  	s20 =	simm.s32 $0x980;
	s21 =	simm.s32 $0x13C00  }
0x50: {  	[tilespmem:s21], [sflag:$0x1] =	stream.indirect.gather [hbm4b:s3+s6], $0x20, s20, s6, $0xb8;
	[tilespmem:$0x18C00] =	vst v63  }
0x51: {  	s22 =	simm.s32 $0xA00;
	s23 =	simm.s32 $0x14C00  }
0x52: {  	[tilespmem:s23], [sflag:$0x1] =	stream.indirect.gather [hbm4b:s3+s6], $0x20, s22, s6, $0xb8;
	[tilespmem:$0x18C00] =	vst v63  }
0x53: {  	s24 =	simm.s32 $0xA80;
	s25 =	simm.s32 $0x15C00  }
0x54: {  	[tilespmem:s25], [sflag:$0x1] =	stream.indirect.gather [hbm4b:s3+s6], $0x20, s24, s6, $0xb8;
	[tilespmem:$0x18C00] =	vst v63  }
0x55: {  	s28 =	simm.s32 $0xB00;
	s29 =	simm.s32 $0x16C00  }
0x56: {  	[tilespmem:s29], [sflag:$0x1] =	stream.indirect.gather [hbm4b:s3+s6], $0x20, s28, s6, $0xb8;
	[tilespmem:$0x18C00] =	vst v63  }
0x57: {  	s30 =	simm.s32 $0xB80;
	s31 =	simm.s32 $0x17C00;
	s26 =	simm.s32 $0x1  }
0x58: {  	[tilespmem:s31], [sflag:$0x1] =	stream.indirect.gather [hbm4b:s3+s6], $0x20, s30, s6, $0xb8;
	[tilespmem:$0x18C00] =	vst v63  }
0x59: {  	_ =	swait.ge [sflag:s26], $0x1000  }
0x5a: {  	[sflag:s26] =	ssyncset.done $0x0  }
0x5b: {  	[sflag:s26] =	ssyncadd.s32 $0xFFFFF000  }
0x5c: {  	_ =	swait.ge [sflag:s26], $0x1000  }
0x5d: {  	[sflag:s26] =	ssyncset.done $0x0  }
0x5e: {  	[sflag:s26] =	ssyncadd.s32 $0xFFFFF000  }
0x5f: {  	_ =	swait.ge [sflag:s26], $0x1000  }
0x60: {  	[sflag:s26] =	ssyncset.done $0x0  }
0x61: {  	[sflag:s26] =	ssyncadd.s32 $0xFFFFF000  }
0x62: {  	_ =	swait.ge [sflag:s26], $0x1000  }
0x63: {  	[sflag:s26] =	ssyncset.done $0x0  }
0x64: {  	[sflag:s26] =	ssyncadd.s32 $0xFFFFF000  }
0x65: {  	_ =	swait.ge [sflag:s26], $0x1000  }
0x66: {  	[sflag:s26] =	ssyncset.done $0x0  }
0x67: {  	[sflag:s26] =	ssyncadd.s32 $0xFFFFF000  }
0x68: {  	_ =	swait.ge [sflag:s26], $0x1000  }
0x69: {  	[sflag:s26] =	ssyncset.done $0x0  }
0x6a: {  	[sflag:s26] =	ssyncadd.s32 $0xFFFFF000  }
0x6b: {  	_ =	swait.ge [sflag:s26], $0x1000  }
0x6c: {  	[sflag:s26] =	ssyncset.done $0x0  }
0x6d: {  	[sflag:s26] =	ssyncadd.s32 $0xFFFFF000  }
0x6e: {  	_ =	swait.ge [sflag:s26], $0x1000  }
0x6f: {  	[sflag:s26] =	ssyncset.done $0x0  }
0x70: {  	[sflag:s26] =	ssyncadd.s32 $0xFFFFF000  }
0x71: {  	_ =	swait.ge [sflag:s26], $0x1000  }
0x72: {  	[sflag:s26] =	ssyncset.done $0x0  }
0x73: {  	[sflag:s26] =	ssyncadd.s32 $0xFFFFF000  }
0x74: {  	_ =	swait.ge [sflag:s26], $0x1000  }
0x75: {  	[sflag:s26] =	ssyncset.done $0x0  }
0x76: {  	[sflag:s26] =	ssyncadd.s32 $0xFFFFF000  }
0x77: {  	_ =	swait.ge [sflag:s26], $0x1000  }
0x78: {  	[sflag:s26] =	ssyncset.done $0x0  }
0x79: {  	[sflag:s26] =	ssyncadd.s32 $0xFFFFF000  }
0x7a: {  	_ =	swait.ge [sflag:s26], $0x1000  }
0x7b: {  	[sflag:s26] =	ssyncset.done $0x0  }
0x7c: {  	[sflag:s26] =	ssyncadd.s32 $0xFFFFF000  }
0x7d: {  	_ =	swait.ge [sflag:s26], $0x1000  }
0x7e: {  	[sflag:s26] =	ssyncset.done $0x0  }
0x7f: {  	[sflag:s26] =	ssyncadd.s32 $0xFFFFF000  }
0x80: {  	_ =	swait.ge [sflag:s26], $0x1000  }
0x81: {  	[sflag:s26] =	ssyncset.done $0x0  }
0x82: {  	[sflag:s26] =	ssyncadd.s32 $0xFFFFF000  }
0x83: {  	_ =	swait.ge [sflag:s26], $0x1000  }
0x84: {  	[sflag:s26] =	ssyncset.done $0x0  }
0x85: {  	[sflag:s26] =	ssyncadd.s32 $0xFFFFF000  }
0x86: {  	_ =	swait.ge [sflag:s26], $0x1000  }
0x87: {  	[sflag:s26] =	ssyncset.done $0x0  }
0x88: {  	[sflag:s26] =	ssyncadd.s32 $0xFFFFF000  }
0x89: {  	_ =	swait.ge [sflag:s26], $0x1000  }
0x8a: {  	[sflag:s26] =	ssyncset.done $0x0  }
0x8b: {  	[sflag:s26] =	ssyncadd.s32 $0xFFFFF000  }
0x8c: {  	_ =	swait.ge [sflag:s26], $0x1000  }
0x8d: {  	[sflag:s26] =	ssyncset.done $0x0  }
0x8e: {  	[sflag:s26] =	ssyncadd.s32 $0xFFFFF000  }
0x8f: {  	_ =	swait.ge [sflag:s26], $0x1000  }
0x90: {  	[sflag:s26] =	ssyncset.done $0x0  }
0x91: {  	s17 =	ssub.s32 $0x2, s1;
	[sflag:s26] =	ssyncadd.s32 $0xFFFFF000  }
0x92: {  	s1 =	sshrl.u32 s17, $0x1;
	_ =	swait.ge [sflag:s26], $0x1000  }
0x93: {  	s0 =	ssub.s32 s17, s1;
	[sflag:s26] =	ssyncset.done $0x0  }
0x94: {  	s0 =	smax.u32 s0, $0x1;
	[sflag:s26] =	ssyncadd.s32 $0xFFFFF000  }
0x95: {  	p0 =	sne.s32 s0, $0x1;
	_ =	swait.ge [sflag:s26], $0x1000  }
.Ltmp0:
0x96: {  	[sflag:s26] =	ssyncset.done $0x0;
	(pc) =	sbr.rel @!p0 .LBB2_2-.Ltmp0, $4  }
0x97: {  	[sflag:s26] =	ssyncadd.s32 $0xFFFFF000  }
0x98: {  	_ =	swait.ge [sflag:s26], $0x1000  }
0x99: {  	[sflag:s26] =	ssyncset.done $0x0  }
0x9a: {  	s1 =	sadd.s32 $0xFFFFFFFF, s0;
	[sflag:s26] =	ssyncadd.s32 $0xFFFFF000  }
.LBB2_1:
0x9b: {  	_ =	swait.ge [sflag:s26], $0x1000  }
0x9c: {  	[sflag:s26] =	ssyncset.done $0x0  }
0x9d: {  	[sflag:s26] =	ssyncadd.s32 $0xFFFFF000  }
0x9e: {  	_ =	swait.ge [sflag:s26], $0x1000  }
0x9f: {  	[sflag:s26] =	ssyncset.done $0x0  }
0xa0: {  	s0 =	rddreg [dreg:$0x4];
	[sflag:s26] =	ssyncadd.s32 $0xFFFFF000  }
0xa1: {  	[hbm4b:s0+s2] =	stream.linear.scatter [tilespmem:s5], [sflag:$0x2], $0x18000, $0x38;
	[tilespmem:$0x18C00] =	vst v63  }
0xa2: {  	_ =	swait.ge [sflag:s4], $0x18000  }
0xa3: {  	[sflag:s4] =	ssyncset.done $0x0  }
0xa4: {  	s15 =	rddreg [dreg:$0x3];
	[sflag:s4] =	ssyncadd.s32 $0xFFFE8000  }
0xa5: {  	[tilespmem:s2], [sflag:$0x2] =	stream.linear.gather [hbm4b:s15+s2], $0xC00, $0x38;
	[tilespmem:$0x18C00] =	vst v63  }
0xa6: {  	_ =	swait.ge [sflag:s4], $0xC00  }
0xa7: {  	s0 =	rddreg [dreg:$0x19]  }
0xa8: {  	s7 =	rddreg [dreg:$0x17]  }
0xa9: {  	s8 =	rddreg [dreg:$0x15]  }
0xaa: {  	s9 =	rddreg [dreg:$0x13]  }
0xab: {  	s10 =	rddreg [dreg:$0x11]  }
0xac: {  	s11 =	rddreg [dreg:$0xf]  }
0xad: {  	s12 =	rddreg [dreg:$0xd]  }
0xae: {  	s13 =	rddreg [dreg:$0xb]  }
0xaf: {  	s14 =	rddreg [dreg:$0x6];
	[sflag:s4] =	ssyncset.done $0x0  }
0xb0: {  	s15 =	rddreg [dreg:$0x5];
	[sflag:s4] =	ssyncadd.s32 $0xFFFFF400  }
0xb1: {  	[tilespmem:s5], [sflag:$0x1] =	stream.indirect.gather [hbm4b:s3+s6], $0x20, s2, s6, $0xb8;
	[tilespmem:$0x18C00] =	vst v63  }
0xb2: {  	s16 =	rddreg [dreg:$0x7]  }
0xb3: {  	[tilespmem:s15], [sflag:$0x1] =	stream.indirect.gather [hbm4b:s3+s6], $0x20, s6, s6, $0xb8;
	[tilespmem:$0x18C00] =	vst v63  }
0xb4: {  	s17 =	rddreg [dreg:$0x9]  }
0xb5: {  	[tilespmem:s16], [sflag:$0x1] =	stream.indirect.gather [hbm4b:s3+s6], $0x20, s14, s6, $0xb8;
	[tilespmem:$0x18C00] =	vst v63  }
0xb6: {  	s15 =	rddreg [dreg:$0x8]  }
0xb7: {  	[tilespmem:s17], [sflag:$0x1] =	stream.indirect.gather [hbm4b:s3+s6], $0x20, s15, s6, $0xb8;
	[tilespmem:$0x18C00] =	vst v63  }
0xb8: {  	s16 =	rddreg [dreg:$0xa]  }
0xb9: {  	[tilespmem:s13], [sflag:$0x1] =	stream.indirect.gather [hbm4b:s3+s6], $0x20, s16, s6, $0xb8;
	[tilespmem:$0x18C00] =	vst v63  }
0xba: {  	s17 =	rddreg [dreg:$0xc]  }
0xbb: {  	[tilespmem:s12], [sflag:$0x1] =	stream.indirect.gather [hbm4b:s3+s6], $0x20, s17, s6, $0xb8;
	[tilespmem:$0x18C00] =	vst v63  }
0xbc: {  	s14 =	rddreg [dreg:$0xe]  }
0xbd: {  	[tilespmem:s11], [sflag:$0x1] =	stream.indirect.gather [hbm4b:s3+s6], $0x20, s14, s6, $0xb8;
	[tilespmem:$0x18C00] =	vst v63  }
0xbe: {  	s16 =	rddreg [dreg:$0x10]  }
0xbf: {  	[tilespmem:s10], [sflag:$0x1] =	stream.indirect.gather [hbm4b:s3+s6], $0x20, s16, s6, $0xb8;
	[tilespmem:$0x18C00] =	vst v63  }
0xc0: {  	s17 =	rddreg [dreg:$0x12]  }
0xc1: {  	[tilespmem:s9], [sflag:$0x1] =	stream.indirect.gather [hbm4b:s3+s6], $0x20, s17, s6, $0xb8;
	[tilespmem:$0x18C00] =	vst v63  }
0xc2: {  	s13 =	rddreg [dreg:$0x14]  }
0xc3: {  	[tilespmem:s8], [sflag:$0x1] =	stream.indirect.gather [hbm4b:s3+s6], $0x20, s13, s6, $0xb8;
	[tilespmem:$0x18C00] =	vst v63  }
0xc4: {  	s14 =	rddreg [dreg:$0x16]  }
0xc5: {  	[tilespmem:s7], [sflag:$0x1] =	stream.indirect.gather [hbm4b:s3+s6], $0x20, s14, s6, $0xb8;
	[tilespmem:$0x18C00] =	vst v63  }
0xc6: {  	s15 =	rddreg [dreg:$0x18]  }
0xc7: {  	[tilespmem:s0], [sflag:$0x1] =	stream.indirect.gather [hbm4b:s3+s6], $0x20, s15, s6, $0xb8;
	[tilespmem:$0x18C00] =	vst v63  }
0xc8: {  	s16 =	rddreg [dreg:$0x1a];
	s17 =	simm.s32 $0xCC00  }
0xc9: {  	[tilespmem:s17], [sflag:$0x1] =	stream.indirect.gather [hbm4b:s3+s6], $0x20, s16, s6, $0xb8;
	[tilespmem:$0x18C00] =	vst v63  }
0xca: {  	s9 =	simm.s32 $0xDC00;
	s8 =	simm.s32 $0x680  }
0xcb: {  	[tilespmem:s9], [sflag:$0x1] =	stream.indirect.gather [hbm4b:s3+s6], $0x20, s8, s6, $0xb8;
	[tilespmem:$0x18C00] =	vst v63  }
0xcc: {  	s11 =	simm.s32 $0xEC00;
	s10 =	simm.s32 $0x700  }
0xcd: {  	[tilespmem:s11], [sflag:$0x1] =	stream.indirect.gather [hbm4b:s3+s6], $0x20, s10, s6, $0xb8;
	[tilespmem:$0x18C00] =	vst v63  }
0xce: {  	s12 =	simm.s32 $0x780;
	s13 =	simm.s32 $0xFC00  }
0xcf: {  	[tilespmem:s13], [sflag:$0x1] =	stream.indirect.gather [hbm4b:s3+s6], $0x20, s12, s6, $0xb8;
	[tilespmem:$0x18C00] =	vst v63  }
0xd0: {  	s14 =	simm.s32 $0x800;
	s15 =	simm.s32 $0x10C00  }
0xd1: {  	[tilespmem:s15], [sflag:$0x1] =	stream.indirect.gather [hbm4b:s3+s6], $0x20, s14, s6, $0xb8;
	[tilespmem:$0x18C00] =	vst v63  }
0xd2: {  	s16 =	simm.s32 $0x880;
	s17 =	simm.s32 $0x11C00  }
0xd3: {  	[tilespmem:s17], [sflag:$0x1] =	stream.indirect.gather [hbm4b:s3+s6], $0x20, s16, s6, $0xb8;
	[tilespmem:$0x18C00] =	vst v63  }
0xd4: {  	_ = 	snop  }
0xd5: {  	[tilespmem:s19], [sflag:$0x1] =	stream.indirect.gather [hbm4b:s3+s6], $0x20, s18, s6, $0xb8;
	[tilespmem:$0x18C00] =	vst v63  }
0xd6: {  	_ = 	snop  }
0xd7: {  	[tilespmem:s21], [sflag:$0x1] =	stream.indirect.gather [hbm4b:s3+s6], $0x20, s20, s6, $0xb8;
	[tilespmem:$0x18C00] =	vst v63  }
0xd8: {  	_ = 	snop  }
0xd9: {  	[tilespmem:s23], [sflag:$0x1] =	stream.indirect.gather [hbm4b:s3+s6], $0x20, s22, s6, $0xb8;
	[tilespmem:$0x18C00] =	vst v63  }
0xda: {  	_ = 	snop  }
0xdb: {  	[tilespmem:s25], [sflag:$0x1] =	stream.indirect.gather [hbm4b:s3+s6], $0x20, s24, s6, $0xb8;
	[tilespmem:$0x18C00] =	vst v63  }
0xdc: {  	_ = 	snop  }
0xdd: {  	[tilespmem:s29], [sflag:$0x1] =	stream.indirect.gather [hbm4b:s3+s6], $0x20, s28, s6, $0xb8;
	[tilespmem:$0x18C00] =	vst v63  }
0xde: {  	_ = 	snop  }
0xdf: {  	[tilespmem:s31], [sflag:$0x1] =	stream.indirect.gather [hbm4b:s3+s6], $0x20, s30, s6, $0xb8;
	[tilespmem:$0x18C00] =	vst v63  }
0xe0: {  	_ =	swait.ge [sflag:s26], $0x1000  }
0xe1: {  	[sflag:s26] =	ssyncset.done $0x0  }
0xe2: {  	[sflag:s26] =	ssyncadd.s32 $0xFFFFF000  }
0xe3: {  	_ =	swait.ge [sflag:s26], $0x1000  }
0xe4: {  	[sflag:s26] =	ssyncset.done $0x0  }
0xe5: {  	[sflag:s26] =	ssyncadd.s32 $0xFFFFF000  }
0xe6: {  	_ =	swait.ge [sflag:s26], $0x1000  }
0xe7: {  	[sflag:s26] =	ssyncset.done $0x0  }
0xe8: {  	[sflag:s26] =	ssyncadd.s32 $0xFFFFF000  }
0xe9: {  	_ =	swait.ge [sflag:s26], $0x1000  }
0xea: {  	[sflag:s26] =	ssyncset.done $0x0  }
0xeb: {  	[sflag:s26] =	ssyncadd.s32 $0xFFFFF000  }
0xec: {  	_ =	swait.ge [sflag:s26], $0x1000  }
0xed: {  	[sflag:s26] =	ssyncset.done $0x0  }
0xee: {  	[sflag:s26] =	ssyncadd.s32 $0xFFFFF000  }
0xef: {  	_ =	swait.ge [sflag:s26], $0x1000  }
0xf0: {  	[sflag:s26] =	ssyncset.done $0x0  }
0xf1: {  	[sflag:s26] =	ssyncadd.s32 $0xFFFFF000  }
0xf2: {  	_ =	swait.ge [sflag:s26], $0x1000  }
0xf3: {  	[sflag:s26] =	ssyncset.done $0x0  }
0xf4: {  	[sflag:s26] =	ssyncadd.s32 $0xFFFFF000  }
0xf5: {  	_ =	swait.ge [sflag:s26], $0x1000  }
0xf6: {  	[sflag:s26] =	ssyncset.done $0x0  }
0xf7: {  	[sflag:s26] =	ssyncadd.s32 $0xFFFFF000  }
0xf8: {  	_ =	swait.ge [sflag:s26], $0x1000  }
0xf9: {  	[sflag:s26] =	ssyncset.done $0x0  }
0xfa: {  	[sflag:s26] =	ssyncadd.s32 $0xFFFFF000  }
0xfb: {  	_ =	swait.ge [sflag:s26], $0x1000  }
0xfc: {  	[sflag:s26] =	ssyncset.done $0x0  }
0xfd: {  	[sflag:s26] =	ssyncadd.s32 $0xFFFFF000  }
0xfe: {  	_ =	swait.ge [sflag:s26], $0x1000  }
0xff: {  	[sflag:s26] =	ssyncset.done $0x0  }
0x100: {  	[sflag:s26] =	ssyncadd.s32 $0xFFFFF000  }
0x101: {  	_ =	swait.ge [sflag:s26], $0x1000  }
0x102: {  	[sflag:s26] =	ssyncset.done $0x0  }
0x103: {  	[sflag:s26] =	ssyncadd.s32 $0xFFFFF000  }
0x104: {  	_ =	swait.ge [sflag:s26], $0x1000  }
0x105: {  	[sflag:s26] =	ssyncset.done $0x0  }
0x106: {  	[sflag:s26] =	ssyncadd.s32 $0xFFFFF000  }
0x107: {  	_ =	swait.ge [sflag:s26], $0x1000  }
0x108: {  	[sflag:s26] =	ssyncset.done $0x0  }
0x109: {  	[sflag:s26] =	ssyncadd.s32 $0xFFFFF000  }
0x10a: {  	_ =	swait.ge [sflag:s26], $0x1000  }
0x10b: {  	[sflag:s26] =	ssyncset.done $0x0  }
0x10c: {  	[sflag:s26] =	ssyncadd.s32 $0xFFFFF000  }
0x10d: {  	_ =	swait.ge [sflag:s26], $0x1000  }
0x10e: {  	[sflag:s26] =	ssyncset.done $0x0  }
0x10f: {  	[sflag:s26] =	ssyncadd.s32 $0xFFFFF000  }
0x110: {  	_ =	swait.ge [sflag:s26], $0x1000  }
0x111: {  	[sflag:s26] =	ssyncset.done $0x0  }
0x112: {  	[sflag:s26] =	ssyncadd.s32 $0xFFFFF000  }
0x113: {  	_ =	swait.ge [sflag:s26], $0x1000  }
0x114: {  	[sflag:s26] =	ssyncset.done $0x0  }
0x115: {  	[sflag:s26] =	ssyncadd.s32 $0xFFFFF000  }
0x116: {  	_ =	swait.ge [sflag:s26], $0x1000  }
0x117: {  	[sflag:s26] =	ssyncset.done $0x0  }
0x118: {  	[sflag:s26] =	ssyncadd.s32 $0xFFFFF000  }
0x119: {  	_ =	swait.ge [sflag:s26], $0x1000  }
0x11a: {  	[sflag:s26] =	ssyncset.done $0x0  }
0x11b: {  	[sflag:s26] =	ssyncadd.s32 $0xFFFFF000  }
0x11c: {  	p0 =	sne.s32 s1, $0x1;
	_ =	swait.ge [sflag:s26], $0x1000  }
.Ltmp1:
0x11d: {  	[sflag:s26] =	ssyncset.done $0x0;
	(pc) =	sbr.rel @p0 .LBB2_1-.Ltmp1, $4  }
0x11e: {  	[sflag:s26] =	ssyncadd.s32 $0xFFFFF000  }
0x11f: {  	_ =	swait.ge [sflag:s26], $0x1000  }
0x120: {  	[sflag:s26] =	ssyncset.done $0x0  }
0x121: {  	s1 =	sadd.s32 $0xFFFFFFFF, s1;
	[sflag:s26] =	ssyncadd.s32 $0xFFFFF000  }
.LBB2_2:
0x122: {  	_ =	swait.ge [sflag:s26], $0x1000  }
0x123: {  	[sflag:s26] =	ssyncset.done $0x0  }
0x124: {  	[sflag:s26] =	ssyncadd.s32 $0xFFFFF000  }
0x125: {  	_ =	swait.ge [sflag:s26], $0x1000  }
0x126: {  	[sflag:s26] =	ssyncset.done $0x0  }
0x127: {  	s0 =	rddreg [dreg:$0x4];
	[sflag:s26] =	ssyncadd.s32 $0xFFFFF000  }
0x128: {  	[hbm4b:s0+s2] =	stream.linear.scatter [tilespmem:s5], [sflag:$0x2], $0x18000, $0x38;
	[tilespmem:$0x18C00] =	vst v63  }
0x129: {  	_ =	swait.ge [sflag:s4], $0x18000  }
0x12a: {  	[sflag:s4] =	ssyncset.done $0x0  }
0x12b: {  	[sflag:s4] =	ssyncadd.s32 $0xFFFE8000  }
0x12c: {  	_ =	sfence.sel $0x180000  }
0x12d: {  	[bflag:$0x0] =	sbarrier.arrive $0xFFFF  }
0x12e: {  	_ =	strace $0x90000047  }
0x12f: {  	s31 =	stileid.u32;
	[bflag:$0x2] =	sbarrier.arrive $0xFFFF  }
0x130: {  	p0 =	sne.s32 s31, $0x0;
	s0 =	rddreg [dreg:$0x2]  }
0x131: {  	s0 =	sadd.s32 @!p0 $0x100000, s0  }
0x132: {  	[sflag:s0] =	ssyncadd.tile.s32 @!p0 $0x1;
	_ =	shalt  }
.Lfunc_end2:
_tile_overlayer_lowered:
.L_overlay_start_2:
0x133: {  	(tag) =	ssettag $0x2  }
0x134: {  	s0 =	rddreg [dreg:$0x0];
	s2 =	stileid.u32  }
0x135: {  	s1 =	rddreg [dreg:$0x1];
	p0 =	sne.s32 s2, $0x0  }
0x136: {  	s3 =	rddreg [dreg:$0x2];
	[bflag:$0x3] =	sbarrier.arrive $0xFFFF;
	s2 =	simm.s32 @!p0 $0x1C02  }
0x137: {  	[timem:s3], [sflag:s2] =	dma.local @!p0 [hbm:s0], s1  }
0x138: {  	s0 =	simm.s32 @!p0 $0x2  }
0x139: {  	_ =	swait.ge @!p0 [sflag:s0], s1  }
0x13a: {  	s1 =	ssub.s32 @!p0 $0x0, s1;
	[sflag:s0] =	ssyncset.done @!p0 $0x0  }
0x13b: {  	[sflag:s0] =	ssyncadd.s32 @!p0 s1  }
0x13c: {  	[bflag:$0x3] =	sbarrier.arrive $0xFFFF  }
0x13d: {  	_ =	shalt  }

</sc_bundles>
